<compile_context>
chip_gen: v7x
topology: tpu7x:2x2x1
jax: 0.10.2.dev20260603
libtpu: 0.0.44.dev20260713+nightly
codegen_flags: <defaults>
</compile_context>

<pallas_src>
import functools

import jax
import jax.numpy as jnp
from jax import lax
from jax.experimental import pallas as pl
from jax.experimental.pallas import tpu as pltpu
from jax.experimental.pallas import tpu_sc as plsc

LAT = 32
KCODES = 512
TOK_BLK = 2048

_NC, _NS = 2, 16
NW = _NC * _NS
GCH = 128
SB_ROWS = 1024
GPS = SB_ROWS // GCH


def _argmin_body(x_ref, cb_ref, idx_ref):
    xb = x_ref[0]
    cb = cb_ref[...]
    mm2 = lax.dot_general(-2.0 * cb, xb, (((1,), (0,)), ((), ())),
                          preferred_element_type=jnp.float32)
    x2 = jnp.sum(xb * xb, axis=0, keepdims=True)
    cb2 = jnp.sum(cb * cb, axis=1, keepdims=True)
    d = (x2 + cb2) + mm2
    dmin = jnp.min(d, axis=0, keepdims=True)
    onehot = jnp.where(d == dmin, 1.0, 0.0)
    ks = lax.broadcasted_iota(jnp.int32, (2, KCODES), 1)
    qr = jnp.concatenate([
        (ks[:1] // 2).astype(jnp.float32),
        (ks[1:] % 2).astype(jnp.float32)], axis=0)
    hits = lax.dot_general(qr, onehot, (((1,), (0,)), ((), ())),
                           preferred_element_type=jnp.float32)
    idxf = 2.0 * hits[:1] + hits[1:]
    idx = jnp.minimum(idxf.astype(jnp.int32), KCODES - 1)
    idx_ref[0] = idx.reshape(TOK_BLK // 128, 128)


def _compute_indices(x3, code_book):
    b, _, hw = x3.shape
    nb = hw // TOK_BLK
    sub = TOK_BLK // 128
    idx = pl.pallas_call(
        _argmin_body,
        grid=(b, nb),
        in_specs=[
            pl.BlockSpec((1, LAT, TOK_BLK), lambda i, j: (i, 0, j)),
            pl.BlockSpec((KCODES, LAT), lambda i, j: (0, 0)),
        ],
        out_specs=pl.BlockSpec((1, sub, 128), lambda i, j: (i * nb + j, 0, 0)),
        out_shape=jax.ShapeDtypeStruct((b * nb, sub, 128), jnp.int32),
        compiler_params=pltpu.CompilerParams(
            dimension_semantics=("parallel", "parallel")),
    )(x3, code_book)
    return idx.reshape(-1)


def _make_gather(n_tokens):
    rows_pw = n_tokens // NW
    n_sb = rows_pw // SB_ROWS
    chunks_pw = rows_pw // GCH
    mesh = plsc.VectorSubcoreMesh(core_axis_name="c", subcore_axis_name="s")

    @functools.partial(
        pl.kernel,
        mesh=mesh,
        out_type=jax.ShapeDtypeStruct((n_tokens, LAT), jnp.float32),
        scratch_types=[
            pltpu.VMEM((chunks_pw, GCH), jnp.int32),
            pltpu.VMEM((2, SB_ROWS, LAT), jnp.float32),
            pltpu.VMEM_SHARED((_NS, KCODES, LAT), jnp.float32),
            pltpu.SemaphoreType.DMA,
            pltpu.SemaphoreType.DMA,
        ],
        compiler_params=pltpu.CompilerParams(use_tc_tiling_on_sc=False),
    )
    def gather(table_hbm, idx_hbm, out_hbm, idx_v, rows_v, table_sh,
               gsem, wsem):
        sid = lax.axis_index("s")
        wid = sid * _NC + lax.axis_index("c")
        base = wid * rows_pw

        table_my = table_sh.at[sid]
        pltpu.sync_copy(table_hbm, table_my)
        pltpu.sync_copy(idx_hbm.at[wid], idx_v)

        def fire(sb):
            buf = sb % 2
            hs = []
            for g in range(GPS):
                ch = sb * GPS + g
                hs.append(pltpu.async_copy(
                    table_my.at[idx_v.at[ch]],
                    rows_v.at[buf, pl.ds(g * GCH, GCH)],
                    gsem))
            return hs

        pend = {0: fire(0)}
        wb = [None, None]
        for sb in range(n_sb):
            buf = sb % 2
            if sb + 1 < n_sb:
                if wb[(sb + 1) % 2] is not None:
                    wb[(sb + 1) % 2].wait()
                    wb[(sb + 1) % 2] = None
                pend[sb + 1] = fire(sb + 1)
            for h in pend.pop(sb):
                h.wait()
            wb[buf] = pltpu.async_copy(
                rows_v.at[buf],
                out_hbm.at[pl.ds(base + sb * SB_ROWS, SB_ROWS)],
                wsem)
        for h in wb:
            if h is not None:
                h.wait()

    return gather


def kernel(x, code_book):
    b, c, h, w = x.shape
    n_tokens = b * h * w
    x3 = x.reshape(b, c, h * w)
    idx = _compute_indices(x3, code_book)
    idx3 = idx.reshape(NW, n_tokens // (NW * GCH), GCH)
    z_flat = _make_gather(n_tokens)(code_book, idx3)
    z_q = z_flat.reshape(x.shape)
    return (z_q, z_q)

# --- scband reference (transcript-rebuilt; emitter-appended) ---
"""Pipeline reference for scband-quantization-layer-21345987461308 (READ-ONLY COPY).

The authoritative reference and input builder live on the scoring server;
editing this copy changes nothing except your own understanding.
"""

import jax, jax.numpy as jnp
import numpy as np

LATENT_DIM = 32
CODE_BOOK_SIZE = 512


def setup_inputs(seed: int = 0) -> dict:
    key = jax.random.key(seed)
    kx, kc = jax.random.split(key)
    x = jax.random.normal(kx, (8, 32, 128, 128), dtype=jnp.float32)
    code_book = jax.random.normal(kc, (CODE_BOOK_SIZE, LATENT_DIM), dtype=jnp.float32)
    return {"x": x, "code_book": code_book}


def reference(x, code_book):
    latent_dimension = code_book.shape[1]
    # permute (B, C, H, W) -> (B, H, W, C), then flatten to (N, C)
    flat_x = jnp.transpose(x, (0, 2, 3, 1)).reshape(-1, latent_dimension)
    distances = (
        jnp.sum(flat_x ** 2, axis=1, keepdims=True)
        + jnp.sum(code_book ** 2, axis=1)
        - 2.0 * jnp.matmul(flat_x, code_book.T)
    )
    min_distances_indices = jnp.argmin(distances, axis=1)
    # faithful to torch: .view(x.shape) reinterprets the (B,H,W,C)-ordered flat
    # buffer directly as (B, C, H, W) without permuting back
    z_q = jnp.take(code_book, min_distances_indices, axis=0).reshape(x.shape)
    z_hat = x + jax.lax.stop_gradient(z_q - x)
    return (z_hat, z_q)

if __name__ == "__main__":
    import jax
    _d = setup_inputs()
    print(jax.jit(kernel)(*tuple(_d.values())))

</pallas_src>

<mosaic_0001>
#map = affine_map<(d0, d1) -> (0, 0)>
#map1 = affine_map<(d0, d1) -> (0, 0, 0)>
module attributes {stable_mosaic.version = 14 : i64} {
  func.func @gather(%arg0: i32, %arg1: i32, %arg2: memref<512x32xf32, #tpu.memory_space<hbm>>, %arg3: memref<32x32x128xi32, #tpu.memory_space<hbm>>, %arg4: memref<131072x32xf32, #tpu.memory_space<hbm>>, %arg5: memref<32x128xi32, #tpu.memory_space<vmem>>, %arg6: memref<2x1024x32xf32, #tpu.memory_space<vmem>>, %arg7: memref<16x512x32xf32, #tpu.memory_space<vmem_shared>>, %arg8: memref<!tpu.dma_semaphore, #tpu.memory_space<semaphore_mem>>, %arg9: memref<!tpu.dma_semaphore, #tpu.memory_space<semaphore_mem>>) attributes {dimension_semantics = [#tpu.dimension_semantics<core_parallel>, #tpu.dimension_semantics<subcore_parallel>], iteration_bounds = array<i64: 2, 16>, scalar_prefetch = 0 : i64, scratch_operands = 5 : i64, tpu.core_type = #tpu.core_type<sc_vector_subcore>, window_params = [{transform_indices = #map}, {transform_indices = #map1}, {transform_indices = #map}]} {
    %mul3A = arith.constant 2 : i32
    %mul3A_0 = arith.muli %arg1, %mul3A : i32
    %add3A = arith.addi %mul3A_0, %arg0 : i32
    %mul3A_1 = arith.constant 4096 : i32
    %mul3A_2 = arith.muli %add3A, %mul3A_1 : i32
    "tpu.region"() ({
      %run_scoped3A = tpu.sem_alloc : memref<!tpu.dma_semaphore, #tpu.memory_space<semaphore_mem>>
      %dma_start3A_1137 = arith.constant 0 : i32
      %dma_start3A_1138 = arith.constant 0 : i32
      %dma_start3A_1139 = tpu.memref_slice %arg7[%arg1, %dma_start3A_1137, %dma_start3A_1138] : memref<16x512x32xf32, #tpu.memory_space<vmem_shared>> -> memref<1x512x32xf32, #tpu.memory_space<vmem_shared>>
      %dma_start3A_1140 = tpu.memref_squeeze %dma_start3A_1139 : memref<1x512x32xf32, #tpu.memory_space<vmem_shared>> -> memref<512x32xf32, #tpu.memory_space<vmem_shared>>
      tpu.enqueue_dma source(%arg2 : memref<512x32xf32, #tpu.memory_space<hbm>>) target(%dma_start3A_1140 : memref<512x32xf32, #tpu.memory_space<vmem_shared>>) target_semaphore(%run_scoped3A : memref<!tpu.dma_semaphore, #tpu.memory_space<semaphore_mem>>)
      %dma_wait3A_1141 = arith.constant 0 : i32
      %dma_wait3A_1142 = arith.constant 0 : i32
      %dma_wait3A_1143 = tpu.memref_slice %arg7[%arg1, %dma_wait3A_1141, %dma_wait3A_1142] : memref<16x512x32xf32, #tpu.memory_space<vmem_shared>> -> memref<1x512x32xf32, #tpu.memory_space<vmem_shared>>
      %dma_wait3A_1144 = tpu.memref_squeeze %dma_wait3A_1143 : memref<1x512x32xf32, #tpu.memory_space<vmem_shared>> -> memref<512x32xf32, #tpu.memory_space<vmem_shared>>
      tpu.wait_dma2 semaphore(%run_scoped3A : memref<!tpu.dma_semaphore, #tpu.memory_space<semaphore_mem>>) src(%arg2 : memref<512x32xf32, #tpu.memory_space<hbm>>) dst(%dma_wait3A_1144 : memref<512x32xf32, #tpu.memory_space<vmem_shared>>)
      tpu.yield
    }) : () -> ()
    "tpu.region"() ({
      %run_scoped3A = tpu.sem_alloc : memref<!tpu.dma_semaphore, #tpu.memory_space<semaphore_mem>>
      %dma_start3A_1137 = arith.constant 0 : i32
      %dma_start3A_1138 = arith.constant 0 : i32
      %dma_start3A_1139 = tpu.memref_slice %arg3[%add3A, %dma_start3A_1137, %dma_start3A_1138] : memref<32x32x128xi32, #tpu.memory_space<hbm>> -> memref<1x32x128xi32, #tpu.memory_space<hbm>>
      %dma_start3A_1140 = tpu.memref_squeeze %dma_start3A_1139 : memref<1x32x128xi32, #tpu.memory_space<hbm>> -> memref<32x128xi32, #tpu.memory_space<hbm>>
      %dma_start3A_1141 = arith.constant 0 : i32
      %dma_start3A_1142 = arith.constant 0 : i32
      %dma_start3A_1143 = tpu.memref_slice %arg3[%add3A, %dma_start3A_1141, %dma_start3A_1142] : memref<32x32x128xi32, #tpu.memory_space<hbm>> -> memref<1x32x128xi32, #tpu.memory_space<hbm>>
      %dma_start3A_1144 = tpu.memref_squeeze %dma_start3A_1143 : memref<1x32x128xi32, #tpu.memory_space<hbm>> -> memref<32x128xi32, #tpu.memory_space<hbm>>
      tpu.enqueue_dma source(%dma_start3A_1144 : memref<32x128xi32, #tpu.memory_space<hbm>>) target(%arg5 : memref<32x128xi32, #tpu.memory_space<vmem>>) target_semaphore(%run_scoped3A : memref<!tpu.dma_semaphore, #tpu.memory_space<semaphore_mem>>)
      %dma_wait3A_1145 = arith.constant 0 : i32
      %dma_wait3A_1146 = arith.constant 0 : i32
      %dma_wait3A_1147 = tpu.memref_slice %arg3[%add3A, %dma_wait3A_1145, %dma_wait3A_1146] : memref<32x32x128xi32, #tpu.memory_space<hbm>> -> memref<1x32x128xi32, #tpu.memory_space<hbm>>
      %dma_wait3A_1148 = tpu.memref_squeeze %dma_wait3A_1147 : memref<1x32x128xi32, #tpu.memory_space<hbm>> -> memref<32x128xi32, #tpu.memory_space<hbm>>
      %dma_wait3A_1149 = arith.constant 0 : i32
      %dma_wait3A_1150 = arith.constant 0 : i32
      %dma_wait3A_1151 = tpu.memref_slice %arg3[%add3A, %dma_wait3A_1149, %dma_wait3A_1150] : memref<32x32x128xi32, #tpu.memory_space<hbm>> -> memref<1x32x128xi32, #tpu.memory_space<hbm>>
      %dma_wait3A_1152 = tpu.memref_squeeze %dma_wait3A_1151 : memref<1x32x128xi32, #tpu.memory_space<hbm>> -> memref<32x128xi32, #tpu.memory_space<hbm>>
      tpu.wait_dma2 semaphore(%run_scoped3A : memref<!tpu.dma_semaphore, #tpu.memory_space<semaphore_mem>>) src(%dma_wait3A_1152 : memref<32x128xi32, #tpu.memory_space<hbm>>) dst(%arg5 : memref<32x128xi32, #tpu.memory_space<vmem>>)
      tpu.yield
    }) : () -> ()
    %dma_start3A = arith.constant 0 : i32
    %dma_start3A_3 = arith.constant 0 : i32
    %dma_start3A_4 = arith.constant 0 : i32
    %dma_start3A_5 = arith.constant 0 : i32
    %dma_start3A_6 = tpu.memref_slice %arg6[%dma_start3A_3, %dma_start3A_4, %dma_start3A_5] : memref<2x1024x32xf32, #tpu.memory_space<vmem>> -> memref<1x128x32xf32, #tpu.memory_space<vmem>>
    %dma_start3A_7 = tpu.memref_squeeze %dma_start3A_6 : memref<1x128x32xf32, #tpu.memory_space<vmem>> -> memref<128x32xf32, #tpu.memory_space<vmem>>
    %dma_start3A_8 = arith.constant 0 : i32
    %dma_start3A_9 = tpu.memref_slice %arg5[%dma_start3A, %dma_start3A_8] : memref<32x128xi32, #tpu.memory_space<vmem>> -> memref<1x128xi32, #tpu.memory_space<vmem>>
    %dma_start3A_10 = tpu.memref_squeeze %dma_start3A_9 : memref<1x128xi32, #tpu.memory_space<vmem>> -> memref<128xi32, #tpu.memory_space<vmem>>
    %dma_start3A_11 = arith.constant 0 : i32
    %dma_start3A_12 = arith.constant 0 : i32
    %dma_start3A_13 = tpu.memref_slice %arg7[%arg1, %dma_start3A_11, %dma_start3A_12] : memref<16x512x32xf32, #tpu.memory_space<vmem_shared>> -> memref<1x512x32xf32, #tpu.memory_space<vmem_shared>>
    %dma_start3A_14 = tpu.memref_squeeze %dma_start3A_13 : memref<1x512x32xf32, #tpu.memory_space<vmem_shared>> -> memref<512x32xf32, #tpu.memory_space<vmem_shared>>
    %dma_start3A_15 = arith.constant 0 : i32
    %dma_start3A_16 = arith.constant 0 : i32
    %dma_start3A_17 = tpu.memref_slice %dma_start3A_14[%dma_start3A_15, %dma_start3A_16] : memref<512x32xf32, #tpu.memory_space<vmem_shared>> -> memref<512x32xf32, #tpu.memory_space<vmem_shared>>
    tpu.enqueue_indirect_dma source(%dma_start3A_17 : memref<512x32xf32, #tpu.memory_space<vmem_shared>>) target(%dma_start3A_7 : memref<128x32xf32, #tpu.memory_space<vmem>>) offsets(%dma_start3A_10 : memref<128xi32, #tpu.memory_space<vmem>>) semaphore(%arg8 : memref<!tpu.dma_semaphore, #tpu.memory_space<semaphore_mem>>)
    %dma_start3A_18 = arith.constant 1 : i32
    %dma_start3A_19 = arith.constant 0 : i32
    %dma_start3A_20 = arith.constant 128 : i32
    %dma_start3A_21 = arith.constant 0 : i32
    %dma_start3A_22 = tpu.memref_slice %arg6[%dma_start3A_19, %dma_start3A_20, %dma_start3A_21] : memref<2x1024x32xf32, #tpu.memory_space<vmem>> -> memref<1x128x32xf32, #tpu.memory_space<vmem>>
    %dma_start3A_23 = tpu.memref_squeeze %dma_start3A_22 : memref<1x128x32xf32, #tpu.memory_space<vmem>> -> memref<128x32xf32, #tpu.memory_space<vmem>>
    %dma_start3A_24 = arith.constant 0 : i32
    %dma_start3A_25 = tpu.memref_slice %arg5[%dma_start3A_18, %dma_start3A_24] : memref<32x128xi32, #tpu.memory_space<vmem>> -> memref<1x128xi32, #tpu.memory_space<vmem>>
    %dma_start3A_26 = tpu.memref_squeeze %dma_start3A_25 : memref<1x128xi32, #tpu.memory_space<vmem>> -> memref<128xi32, #tpu.memory_space<vmem>>
    %dma_start3A_27 = arith.constant 0 : i32
    %dma_start3A_28 = arith.constant 0 : i32
    %dma_start3A_29 = tpu.memref_slice %arg7[%arg1, %dma_start3A_27, %dma_start3A_28] : memref<16x512x32xf32, #tpu.memory_space<vmem_shared>> -> memref<1x512x32xf32, #tpu.memory_space<vmem_shared>>
    %dma_start3A_30 = tpu.memref_squeeze %dma_start3A_29 : memref<1x512x32xf32, #tpu.memory_space<vmem_shared>> -> memref<512x32xf32, #tpu.memory_space<vmem_shared>>
    %dma_start3A_31 = arith.constant 0 : i32
    %dma_start3A_32 = arith.constant 0 : i32
    %dma_start3A_33 = tpu.memref_slice %dma_start3A_30[%dma_start3A_31, %dma_start3A_32] : memref<512x32xf32, #tpu.memory_space<vmem_shared>> -> memref<512x32xf32, #tpu.memory_space<vmem_shared>>
    tpu.enqueue_indirect_dma source(%dma_start3A_33 : memref<512x32xf32, #tpu.memory_space<vmem_shared>>) target(%dma_start3A_23 : memref<128x32xf32, #tpu.memory_space<vmem>>) offsets(%dma_start3A_26 : memref<128xi32, #tpu.memory_space<vmem>>) semaphore(%arg8 : memref<!tpu.dma_semaphore, #tpu.memory_space<semaphore_mem>>)
    %dma_start3A_34 = arith.constant 2 : i32
    %dma_start3A_35 = arith.constant 0 : i32
    %dma_start3A_36 = arith.constant 256 : i32
    %dma_start3A_37 = arith.constant 0 : i32
    %dma_start3A_38 = tpu.memref_slice %arg6[%dma_start3A_35, %dma_start3A_36, %dma_start3A_37] : memref<2x1024x32xf32, #tpu.memory_space<vmem>> -> memref<1x128x32xf32, #tpu.memory_space<vmem>>
    %dma_start3A_39 = tpu.memref_squeeze %dma_start3A_38 : memref<1x128x32xf32, #tpu.memory_space<vmem>> -> memref<128x32xf32, #tpu.memory_space<vmem>>
    %dma_start3A_40 = arith.constant 0 : i32
    %dma_start3A_41 = tpu.memref_slice %arg5[%dma_start3A_34, %dma_start3A_40] : memref<32x128xi32, #tpu.memory_space<vmem>> -> memref<1x128xi32, #tpu.memory_space<vmem>>
    %dma_start3A_42 = tpu.memref_squeeze %dma_start3A_41 : memref<1x128xi32, #tpu.memory_space<vmem>> -> memref<128xi32, #tpu.memory_space<vmem>>
    %dma_start3A_43 = arith.constant 0 : i32
    %dma_start3A_44 = arith.constant 0 : i32
    %dma_start3A_45 = tpu.memref_slice %arg7[%arg1, %dma_start3A_43, %dma_start3A_44] : memref<16x512x32xf32, #tpu.memory_space<vmem_shared>> -> memref<1x512x32xf32, #tpu.memory_space<vmem_shared>>
    %dma_start3A_46 = tpu.memref_squeeze %dma_start3A_45 : memref<1x512x32xf32, #tpu.memory_space<vmem_shared>> -> memref<512x32xf32, #tpu.memory_space<vmem_shared>>
    %dma_start3A_47 = arith.constant 0 : i32
    %dma_start3A_48 = arith.constant 0 : i32
    %dma_start3A_49 = tpu.memref_slice %dma_start3A_46[%dma_start3A_47, %dma_start3A_48] : memref<512x32xf32, #tpu.memory_space<vmem_shared>> -> memref<512x32xf32, #tpu.memory_space<vmem_shared>>
    tpu.enqueue_indirect_dma source(%dma_start3A_49 : memref<512x32xf32, #tpu.memory_space<vmem_shared>>) target(%dma_start3A_39 : memref<128x32xf32, #tpu.memory_space<vmem>>) offsets(%dma_start3A_42 : memref<128xi32, #tpu.memory_space<vmem>>) semaphore(%arg8 : memref<!tpu.dma_semaphore, #tpu.memory_space<semaphore_mem>>)
    %dma_start3A_50 = arith.constant 3 : i32
    %dma_start3A_51 = arith.constant 0 : i32
    %dma_start3A_52 = arith.constant 384 : i32
    %dma_start3A_53 = arith.constant 0 : i32
    %dma_start3A_54 = tpu.memref_slice %arg6[%dma_start3A_51, %dma_start3A_52, %dma_start3A_53] : memref<2x1024x32xf32, #tpu.memory_space<vmem>> -> memref<1x128x32xf32, #tpu.memory_space<vmem>>
    %dma_start3A_55 = tpu.memref_squeeze %dma_start3A_54 : memref<1x128x32xf32, #tpu.memory_space<vmem>> -> memref<128x32xf32, #tpu.memory_space<vmem>>
    %dma_start3A_56 = arith.constant 0 : i32
    %dma_start3A_57 = tpu.memref_slice %arg5[%dma_start3A_50, %dma_start3A_56] : memref<32x128xi32, #tpu.memory_space<vmem>> -> memref<1x128xi32, #tpu.memory_space<vmem>>
    %dma_start3A_58 = tpu.memref_squeeze %dma_start3A_57 : memref<1x128xi32, #tpu.memory_space<vmem>> -> memref<128xi32, #tpu.memory_space<vmem>>
    %dma_start3A_59 = arith.constant 0 : i32
    %dma_start3A_60 = arith.constant 0 : i32
    %dma_start3A_61 = tpu.memref_slice %arg7[%arg1, %dma_start3A_59, %dma_start3A_60] : memref<16x512x32xf32, #tpu.memory_space<vmem_shared>> -> memref<1x512x32xf32, #tpu.memory_space<vmem_shared>>
    %dma_start3A_62 = tpu.memref_squeeze %dma_start3A_61 : memref<1x512x32xf32, #tpu.memory_space<vmem_shared>> -> memref<512x32xf32, #tpu.memory_space<vmem_shared>>
    %dma_start3A_63 = arith.constant 0 : i32
    %dma_start3A_64 = arith.constant 0 : i32
    %dma_start3A_65 = tpu.memref_slice %dma_start3A_62[%dma_start3A_63, %dma_start3A_64] : memref<512x32xf32, #tpu.memory_space<vmem_shared>> -> memref<512x32xf32, #tpu.memory_space<vmem_shared>>
    tpu.enqueue_indirect_dma source(%dma_start3A_65 : memref<512x32xf32, #tpu.memory_space<vmem_shared>>) target(%dma_start3A_55 : memref<128x32xf32, #tpu.memory_space<vmem>>) offsets(%dma_start3A_58 : memref<128xi32, #tpu.memory_space<vmem>>) semaphore(%arg8 : memref<!tpu.dma_semaphore, #tpu.memory_space<semaphore_mem>>)
    %dma_start3A_66 = arith.constant 4 : i32
    %dma_start3A_67 = arith.constant 0 : i32
    %dma_start3A_68 = arith.constant 512 : i32
    %dma_start3A_69 = arith.constant 0 : i32
    %dma_start3A_70 = tpu.memref_slice %arg6[%dma_start3A_67, %dma_start3A_68, %dma_start3A_69] : memref<2x1024x32xf32, #tpu.memory_space<vmem>> -> memref<1x128x32xf32, #tpu.memory_space<vmem>>
    %dma_start3A_71 = tpu.memref_squeeze %dma_start3A_70 : memref<1x128x32xf32, #tpu.memory_space<vmem>> -> memref<128x32xf32, #tpu.memory_space<vmem>>
    %dma_start3A_72 = arith.constant 0 : i32
    %dma_start3A_73 = tpu.memref_slice %arg5[%dma_start3A_66, %dma_start3A_72] : memref<32x128xi32, #tpu.memory_space<vmem>> -> memref<1x128xi32, #tpu.memory_space<vmem>>
    %dma_start3A_74 = tpu.memref_squeeze %dma_start3A_73 : memref<1x128xi32, #tpu.memory_space<vmem>> -> memref<128xi32, #tpu.memory_space<vmem>>
    %dma_start3A_75 = arith.constant 0 : i32
    %dma_start3A_76 = arith.constant 0 : i32
    %dma_start3A_77 = tpu.memref_slice %arg7[%arg1, %dma_start3A_75, %dma_start3A_76] : memref<16x512x32xf32, #tpu.memory_space<vmem_shared>> -> memref<1x512x32xf32, #tpu.memory_space<vmem_shared>>
    %dma_start3A_78 = tpu.memref_squeeze %dma_start3A_77 : memref<1x512x32xf32, #tpu.memory_space<vmem_shared>> -> memref<512x32xf32, #tpu.memory_space<vmem_shared>>
    %dma_start3A_79 = arith.constant 0 : i32
    %dma_start3A_80 = arith.constant 0 : i32
    %dma_start3A_81 = tpu.memref_slice %dma_start3A_78[%dma_start3A_79, %dma_start3A_80] : memref<512x32xf32, #tpu.memory_space<vmem_shared>> -> memref<512x32xf32, #tpu.memory_space<vmem_shared>>
    tpu.enqueue_indirect_dma source(%dma_start3A_81 : memref<512x32xf32, #tpu.memory_space<vmem_shared>>) target(%dma_start3A_71 : memref<128x32xf32, #tpu.memory_space<vmem>>) offsets(%dma_start3A_74 : memref<128xi32, #tpu.memory_space<vmem>>) semaphore(%arg8 : memref<!tpu.dma_semaphore, #tpu.memory_space<semaphore_mem>>)
    %dma_start3A_82 = arith.constant 5 : i32
    %dma_start3A_83 = arith.constant 0 : i32
    %dma_start3A_84 = arith.constant 640 : i32
    %dma_start3A_85 = arith.constant 0 : i32
    %dma_start3A_86 = tpu.memref_slice %arg6[%dma_start3A_83, %dma_start3A_84, %dma_start3A_85] : memref<2x1024x32xf32, #tpu.memory_space<vmem>> -> memref<1x128x32xf32, #tpu.memory_space<vmem>>
    %dma_start3A_87 = tpu.memref_squeeze %dma_start3A_86 : memref<1x128x32xf32, #tpu.memory_space<vmem>> -> memref<128x32xf32, #tpu.memory_space<vmem>>
    %dma_start3A_88 = arith.constant 0 : i32
    %dma_start3A_89 = tpu.memref_slice %arg5[%dma_start3A_82, %dma_start3A_88] : memref<32x128xi32, #tpu.memory_space<vmem>> -> memref<1x128xi32, #tpu.memory_space<vmem>>
    %dma_start3A_90 = tpu.memref_squeeze %dma_start3A_89 : memref<1x128xi32, #tpu.memory_space<vmem>> -> memref<128xi32, #tpu.memory_space<vmem>>
    %dma_start3A_91 = arith.constant 0 : i32
    %dma_start3A_92 = arith.constant 0 : i32
    %dma_start3A_93 = tpu.memref_slice %arg7[%arg1, %dma_start3A_91, %dma_start3A_92] : memref<16x512x32xf32, #tpu.memory_space<vmem_shared>> -> memref<1x512x32xf32, #tpu.memory_space<vmem_shared>>
    %dma_start3A_94 = tpu.memref_squeeze %dma_start3A_93 : memref<1x512x32xf32, #tpu.memory_space<vmem_shared>> -> memref<512x32xf32, #tpu.memory_space<vmem_shared>>
    %dma_start3A_95 = arith.constant 0 : i32
    %dma_start3A_96 = arith.constant 0 : i32
    %dma_start3A_97 = tpu.memref_slice %dma_start3A_94[%dma_start3A_95, %dma_start3A_96] : memref<512x32xf32, #tpu.memory_space<vmem_shared>> -> memref<512x32xf32, #tpu.memory_space<vmem_shared>>
    tpu.enqueue_indirect_dma source(%dma_start3A_97 : memref<512x32xf32, #tpu.memory_space<vmem_shared>>) target(%dma_start3A_87 : memref<128x32xf32, #tpu.memory_space<vmem>>) offsets(%dma_start3A_90 : memref<128xi32, #tpu.memory_space<vmem>>) semaphore(%arg8 : memref<!tpu.dma_semaphore, #tpu.memory_space<semaphore_mem>>)
    %dma_start3A_98 = arith.constant 6 : i32
    %dma_start3A_99 = arith.constant 0 : i32
    %dma_start3A_100 = arith.constant 768 : i32
    %dma_start3A_101 = arith.constant 0 : i32
    %dma_start3A_102 = tpu.memref_slice %arg6[%dma_start3A_99, %dma_start3A_100, %dma_start3A_101] : memref<2x1024x32xf32, #tpu.memory_space<vmem>> -> memref<1x128x32xf32, #tpu.memory_space<vmem>>
    %dma_start3A_103 = tpu.memref_squeeze %dma_start3A_102 : memref<1x128x32xf32, #tpu.memory_space<vmem>> -> memref<128x32xf32, #tpu.memory_space<vmem>>
    %dma_start3A_104 = arith.constant 0 : i32
    %dma_start3A_105 = tpu.memref_slice %arg5[%dma_start3A_98, %dma_start3A_104] : memref<32x128xi32, #tpu.memory_space<vmem>> -> memref<1x128xi32, #tpu.memory_space<vmem>>
    %dma_start3A_106 = tpu.memref_squeeze %dma_start3A_105 : memref<1x128xi32, #tpu.memory_space<vmem>> -> memref<128xi32, #tpu.memory_space<vmem>>
    %dma_start3A_107 = arith.constant 0 : i32
    %dma_start3A_108 = arith.constant 0 : i32
    %dma_start3A_109 = tpu.memref_slice %arg7[%arg1, %dma_start3A_107, %dma_start3A_108] : memref<16x512x32xf32, #tpu.memory_space<vmem_shared>> -> memref<1x512x32xf32, #tpu.memory_space<vmem_shared>>
    %dma_start3A_110 = tpu.memref_squeeze %dma_start3A_109 : memref<1x512x32xf32, #tpu.memory_space<vmem_shared>> -> memref<512x32xf32, #tpu.memory_space<vmem_shared>>
    %dma_start3A_111 = arith.constant 0 : i32
    %dma_start3A_112 = arith.constant 0 : i32
    %dma_start3A_113 = tpu.memref_slice %dma_start3A_110[%dma_start3A_111, %dma_start3A_112] : memref<512x32xf32, #tpu.memory_space<vmem_shared>> -> memref<512x32xf32, #tpu.memory_space<vmem_shared>>
    tpu.enqueue_indirect_dma source(%dma_start3A_113 : memref<512x32xf32, #tpu.memory_space<vmem_shared>>) target(%dma_start3A_103 : memref<128x32xf32, #tpu.memory_space<vmem>>) offsets(%dma_start3A_106 : memref<128xi32, #tpu.memory_space<vmem>>) semaphore(%arg8 : memref<!tpu.dma_semaphore, #tpu.memory_space<semaphore_mem>>)
    %dma_start3A_114 = arith.constant 7 : i32
    %dma_start3A_115 = arith.constant 0 : i32
    %dma_start3A_116 = arith.constant 896 : i32
    %dma_start3A_117 = arith.constant 0 : i32
    %dma_start3A_118 = tpu.memref_slice %arg6[%dma_start3A_115, %dma_start3A_116, %dma_start3A_117] : memref<2x1024x32xf32, #tpu.memory_space<vmem>> -> memref<1x128x32xf32, #tpu.memory_space<vmem>>
    %dma_start3A_119 = tpu.memref_squeeze %dma_start3A_118 : memref<1x128x32xf32, #tpu.memory_space<vmem>> -> memref<128x32xf32, #tpu.memory_space<vmem>>
    %dma_start3A_120 = arith.constant 0 : i32
    %dma_start3A_121 = tpu.memref_slice %arg5[%dma_start3A_114, %dma_start3A_120] : memref<32x128xi32, #tpu.memory_space<vmem>> -> memref<1x128xi32, #tpu.memory_space<vmem>>
    %dma_start3A_122 = tpu.memref_squeeze %dma_start3A_121 : memref<1x128xi32, #tpu.memory_space<vmem>> -> memref<128xi32, #tpu.memory_space<vmem>>
    %dma_start3A_123 = arith.constant 0 : i32
    %dma_start3A_124 = arith.constant 0 : i32
    %dma_start3A_125 = tpu.memref_slice %arg7[%arg1, %dma_start3A_123, %dma_start3A_124] : memref<16x512x32xf32, #tpu.memory_space<vmem_shared>> -> memref<1x512x32xf32, #tpu.memory_space<vmem_shared>>
    %dma_start3A_126 = tpu.memref_squeeze %dma_start3A_125 : memref<1x512x32xf32, #tpu.memory_space<vmem_shared>> -> memref<512x32xf32, #tpu.memory_space<vmem_shared>>
    %dma_start3A_127 = arith.constant 0 : i32
    %dma_start3A_128 = arith.constant 0 : i32
    %dma_start3A_129 = tpu.memref_slice %dma_start3A_126[%dma_start3A_127, %dma_start3A_128] : memref<512x32xf32, #tpu.memory_space<vmem_shared>> -> memref<512x32xf32, #tpu.memory_space<vmem_shared>>
    tpu.enqueue_indirect_dma source(%dma_start3A_129 : memref<512x32xf32, #tpu.memory_space<vmem_shared>>) target(%dma_start3A_119 : memref<128x32xf32, #tpu.memory_space<vmem>>) offsets(%dma_start3A_122 : memref<128xi32, #tpu.memory_space<vmem>>) semaphore(%arg8 : memref<!tpu.dma_semaphore, #tpu.memory_space<semaphore_mem>>)
    %dma_start3A_130 = arith.constant 8 : i32
    %dma_start3A_131 = arith.constant 1 : i32
    %dma_start3A_132 = arith.constant 0 : i32
    %dma_start3A_133 = arith.constant 0 : i32
    %dma_start3A_134 = tpu.memref_slice %arg6[%dma_start3A_131, %dma_start3A_132, %dma_start3A_133] : memref<2x1024x32xf32, #tpu.memory_space<vmem>> -> memref<1x128x32xf32, #tpu.memory_space<vmem>>
    %dma_start3A_135 = tpu.memref_squeeze %dma_start3A_134 : memref<1x128x32xf32, #tpu.memory_space<vmem>> -> memref<128x32xf32, #tpu.memory_space<vmem>>
    %dma_start3A_136 = arith.constant 0 : i32
    %dma_start3A_137 = tpu.memref_slice %arg5[%dma_start3A_130, %dma_start3A_136] : memref<32x128xi32, #tpu.memory_space<vmem>> -> memref<1x128xi32, #tpu.memory_space<vmem>>
    %dma_start3A_138 = tpu.memref_squeeze %dma_start3A_137 : memref<1x128xi32, #tpu.memory_space<vmem>> -> memref<128xi32, #tpu.memory_space<vmem>>
    %dma_start3A_139 = arith.constant 0 : i32
    %dma_start3A_140 = arith.constant 0 : i32
    %dma_start3A_141 = tpu.memref_slice %arg7[%arg1, %dma_start3A_139, %dma_start3A_140] : memref<16x512x32xf32, #tpu.memory_space<vmem_shared>> -> memref<1x512x32xf32, #tpu.memory_space<vmem_shared>>
    %dma_start3A_142 = tpu.memref_squeeze %dma_start3A_141 : memref<1x512x32xf32, #tpu.memory_space<vmem_shared>> -> memref<512x32xf32, #tpu.memory_space<vmem_shared>>
    %dma_start3A_143 = arith.constant 0 : i32
    %dma_start3A_144 = arith.constant 0 : i32
    %dma_start3A_145 = tpu.memref_slice %dma_start3A_142[%dma_start3A_143, %dma_start3A_144] : memref<512x32xf32, #tpu.memory_space<vmem_shared>> -> memref<512x32xf32, #tpu.memory_space<vmem_shared>>
    tpu.enqueue_indirect_dma source(%dma_start3A_145 : memref<512x32xf32, #tpu.memory_space<vmem_shared>>) target(%dma_start3A_135 : memref<128x32xf32, #tpu.memory_space<vmem>>) offsets(%dma_start3A_138 : memref<128xi32, #tpu.memory_space<vmem>>) semaphore(%arg8 : memref<!tpu.dma_semaphore, #tpu.memory_space<semaphore_mem>>)
    %dma_start3A_146 = arith.constant 9 : i32
    %dma_start3A_147 = arith.constant 1 : i32
    %dma_start3A_148 = arith.constant 128 : i32
    %dma_start3A_149 = arith.constant 0 : i32
    %dma_start3A_150 = tpu.memref_slice %arg6[%dma_start3A_147, %dma_start3A_148, %dma_start3A_149] : memref<2x1024x32xf32, #tpu.memory_space<vmem>> -> memref<1x128x32xf32, #tpu.memory_space<vmem>>
    %dma_start3A_151 = tpu.memref_squeeze %dma_start3A_150 : memref<1x128x32xf32, #tpu.memory_space<vmem>> -> memref<128x32xf32, #tpu.memory_space<vmem>>
    %dma_start3A_152 = arith.constant 0 : i32
    %dma_start3A_153 = tpu.memref_slice %arg5[%dma_start3A_146, %dma_start3A_152] : memref<32x128xi32, #tpu.memory_space<vmem>> -> memref<1x128xi32, #tpu.memory_space<vmem>>
    %dma_start3A_154 = tpu.memref_squeeze %dma_start3A_153 : memref<1x128xi32, #tpu.memory_space<vmem>> -> memref<128xi32, #tpu.memory_space<vmem>>
    %dma_start3A_155 = arith.constant 0 : i32
    %dma_start3A_156 = arith.constant 0 : i32
    %dma_start3A_157 = tpu.memref_slice %arg7[%arg1, %dma_start3A_155, %dma_start3A_156] : memref<16x512x32xf32, #tpu.memory_space<vmem_shared>> -> memref<1x512x32xf32, #tpu.memory_space<vmem_shared>>
    %dma_start3A_158 = tpu.memref_squeeze %dma_start3A_157 : memref<1x512x32xf32, #tpu.memory_space<vmem_shared>> -> memref<512x32xf32, #tpu.memory_space<vmem_shared>>
    %dma_start3A_159 = arith.constant 0 : i32
    %dma_start3A_160 = arith.constant 0 : i32
    %dma_start3A_161 = tpu.memref_slice %dma_start3A_158[%dma_start3A_159, %dma_start3A_160] : memref<512x32xf32, #tpu.memory_space<vmem_shared>> -> memref<512x32xf32, #tpu.memory_space<vmem_shared>>
    tpu.enqueue_indirect_dma source(%dma_start3A_161 : memref<512x32xf32, #tpu.memory_space<vmem_shared>>) target(%dma_start3A_151 : memref<128x32xf32, #tpu.memory_space<vmem>>) offsets(%dma_start3A_154 : memref<128xi32, #tpu.memory_space<vmem>>) semaphore(%arg8 : memref<!tpu.dma_semaphore, #tpu.memory_space<semaphore_mem>>)
    %dma_start3A_162 = arith.constant 10 : i32
    %dma_start3A_163 = arith.constant 1 : i32
    %dma_start3A_164 = arith.constant 256 : i32
    %dma_start3A_165 = arith.constant 0 : i32
    %dma_start3A_166 = tpu.memref_slice %arg6[%dma_start3A_163, %dma_start3A_164, %dma_start3A_165] : memref<2x1024x32xf32, #tpu.memory_space<vmem>> -> memref<1x128x32xf32, #tpu.memory_space<vmem>>
    %dma_start3A_167 = tpu.memref_squeeze %dma_start3A_166 : memref<1x128x32xf32, #tpu.memory_space<vmem>> -> memref<128x32xf32, #tpu.memory_space<vmem>>
    %dma_start3A_168 = arith.constant 0 : i32
    %dma_start3A_169 = tpu.memref_slice %arg5[%dma_start3A_162, %dma_start3A_168] : memref<32x128xi32, #tpu.memory_space<vmem>> -> memref<1x128xi32, #tpu.memory_space<vmem>>
    %dma_start3A_170 = tpu.memref_squeeze %dma_start3A_169 : memref<1x128xi32, #tpu.memory_space<vmem>> -> memref<128xi32, #tpu.memory_space<vmem>>
    %dma_start3A_171 = arith.constant 0 : i32
    %dma_start3A_172 = arith.constant 0 : i32
    %dma_start3A_173 = tpu.memref_slice %arg7[%arg1, %dma_start3A_171, %dma_start3A_172] : memref<16x512x32xf32, #tpu.memory_space<vmem_shared>> -> memref<1x512x32xf32, #tpu.memory_space<vmem_shared>>
    %dma_start3A_174 = tpu.memref_squeeze %dma_start3A_173 : memref<1x512x32xf32, #tpu.memory_space<vmem_shared>> -> memref<512x32xf32, #tpu.memory_space<vmem_shared>>
    %dma_start3A_175 = arith.constant 0 : i32
    %dma_start3A_176 = arith.constant 0 : i32
    %dma_start3A_177 = tpu.memref_slice %dma_start3A_174[%dma_start3A_175, %dma_start3A_176] : memref<512x32xf32, #tpu.memory_space<vmem_shared>> -> memref<512x32xf32, #tpu.memory_space<vmem_shared>>
    tpu.enqueue_indirect_dma source(%dma_start3A_177 : memref<512x32xf32, #tpu.memory_space<vmem_shared>>) target(%dma_start3A_167 : memref<128x32xf32, #tpu.memory_space<vmem>>) offsets(%dma_start3A_170 : memref<128xi32, #tpu.memory_space<vmem>>) semaphore(%arg8 : memref<!tpu.dma_semaphore, #tpu.memory_space<semaphore_mem>>)
    %dma_start3A_178 = arith.constant 11 : i32
    %dma_start3A_179 = arith.constant 1 : i32
    %dma_start3A_180 = arith.constant 384 : i32
    %dma_start3A_181 = arith.constant 0 : i32
    %dma_start3A_182 = tpu.memref_slice %arg6[%dma_start3A_179, %dma_start3A_180, %dma_start3A_181] : memref<2x1024x32xf32, #tpu.memory_space<vmem>> -> memref<1x128x32xf32, #tpu.memory_space<vmem>>
    %dma_start3A_183 = tpu.memref_squeeze %dma_start3A_182 : memref<1x128x32xf32, #tpu.memory_space<vmem>> -> memref<128x32xf32, #tpu.memory_space<vmem>>
    %dma_start3A_184 = arith.constant 0 : i32
    %dma_start3A_185 = tpu.memref_slice %arg5[%dma_start3A_178, %dma_start3A_184] : memref<32x128xi32, #tpu.memory_space<vmem>> -> memref<1x128xi32, #tpu.memory_space<vmem>>
    %dma_start3A_186 = tpu.memref_squeeze %dma_start3A_185 : memref<1x128xi32, #tpu.memory_space<vmem>> -> memref<128xi32, #tpu.memory_space<vmem>>
    %dma_start3A_187 = arith.constant 0 : i32
    %dma_start3A_188 = arith.constant 0 : i32
    %dma_start3A_189 = tpu.memref_slice %arg7[%arg1, %dma_start3A_187, %dma_start3A_188] : memref<16x512x32xf32, #tpu.memory_space<vmem_shared>> -> memref<1x512x32xf32, #tpu.memory_space<vmem_shared>>
    %dma_start3A_190 = tpu.memref_squeeze %dma_start3A_189 : memref<1x512x32xf32, #tpu.memory_space<vmem_shared>> -> memref<512x32xf32, #tpu.memory_space<vmem_shared>>
    %dma_start3A_191 = arith.constant 0 : i32
    %dma_start3A_192 = arith.constant 0 : i32
    %dma_start3A_193 = tpu.memref_slice %dma_start3A_190[%dma_start3A_191, %dma_start3A_192] : memref<512x32xf32, #tpu.memory_space<vmem_shared>> -> memref<512x32xf32, #tpu.memory_space<vmem_shared>>
    tpu.enqueue_indirect_dma source(%dma_start3A_193 : memref<512x32xf32, #tpu.memory_space<vmem_shared>>) target(%dma_start3A_183 : memref<128x32xf32, #tpu.memory_space<vmem>>) offsets(%dma_start3A_186 : memref<128xi32, #tpu.memory_space<vmem>>) semaphore(%arg8 : memref<!tpu.dma_semaphore, #tpu.memory_space<semaphore_mem>>)
    %dma_start3A_194 = arith.constant 12 : i32
    %dma_start3A_195 = arith.constant 1 : i32
    %dma_start3A_196 = arith.constant 512 : i32
    %dma_start3A_197 = arith.constant 0 : i32
    %dma_start3A_198 = tpu.memref_slice %arg6[%dma_start3A_195, %dma_start3A_196, %dma_start3A_197] : memref<2x1024x32xf32, #tpu.memory_space<vmem>> -> memref<1x128x32xf32, #tpu.memory_space<vmem>>
    %dma_start3A_199 = tpu.memref_squeeze %dma_start3A_198 : memref<1x128x32xf32, #tpu.memory_space<vmem>> -> memref<128x32xf32, #tpu.memory_space<vmem>>
    %dma_start3A_200 = arith.constant 0 : i32
    %dma_start3A_201 = tpu.memref_slice %arg5[%dma_start3A_194, %dma_start3A_200] : memref<32x128xi32, #tpu.memory_space<vmem>> -> memref<1x128xi32, #tpu.memory_space<vmem>>
    %dma_start3A_202 = tpu.memref_squeeze %dma_start3A_201 : memref<1x128xi32, #tpu.memory_space<vmem>> -> memref<128xi32, #tpu.memory_space<vmem>>
    %dma_start3A_203 = arith.constant 0 : i32
    %dma_start3A_204 = arith.constant 0 : i32
    %dma_start3A_205 = tpu.memref_slice %arg7[%arg1, %dma_start3A_203, %dma_start3A_204] : memref<16x512x32xf32, #tpu.memory_space<vmem_shared>> -> memref<1x512x32xf32, #tpu.memory_space<vmem_shared>>
    %dma_start3A_206 = tpu.memref_squeeze %dma_start3A_205 : memref<1x512x32xf32, #tpu.memory_space<vmem_shared>> -> memref<512x32xf32, #tpu.memory_space<vmem_shared>>
    %dma_start3A_207 = arith.constant 0 : i32
    %dma_start3A_208 = arith.constant 0 : i32
    %dma_start3A_209 = tpu.memref_slice %dma_start3A_206[%dma_start3A_207, %dma_start3A_208] : memref<512x32xf32, #tpu.memory_space<vmem_shared>> -> memref<512x32xf32, #tpu.memory_space<vmem_shared>>
    tpu.enqueue_indirect_dma source(%dma_start3A_209 : memref<512x32xf32, #tpu.memory_space<vmem_shared>>) target(%dma_start3A_199 : memref<128x32xf32, #tpu.memory_space<vmem>>) offsets(%dma_start3A_202 : memref<128xi32, #tpu.memory_space<vmem>>) semaphore(%arg8 : memref<!tpu.dma_semaphore, #tpu.memory_space<semaphore_mem>>)
    %dma_start3A_210 = arith.constant 13 : i32
    %dma_start3A_211 = arith.constant 1 : i32
    %dma_start3A_212 = arith.constant 640 : i32
    %dma_start3A_213 = arith.constant 0 : i32
    %dma_start3A_214 = tpu.memref_slice %arg6[%dma_start3A_211, %dma_start3A_212, %dma_start3A_213] : memref<2x1024x32xf32, #tpu.memory_space<vmem>> -> memref<1x128x32xf32, #tpu.memory_space<vmem>>
    %dma_start3A_215 = tpu.memref_squeeze %dma_start3A_214 : memref<1x128x32xf32, #tpu.memory_space<vmem>> -> memref<128x32xf32, #tpu.memory_space<vmem>>
    %dma_start3A_216 = arith.constant 0 : i32
    %dma_start3A_217 = tpu.memref_slice %arg5[%dma_start3A_210, %dma_start3A_216] : memref<32x128xi32, #tpu.memory_space<vmem>> -> memref<1x128xi32, #tpu.memory_space<vmem>>
    %dma_start3A_218 = tpu.memref_squeeze %dma_start3A_217 : memref<1x128xi32, #tpu.memory_space<vmem>> -> memref<128xi32, #tpu.memory_space<vmem>>
    %dma_start3A_219 = arith.constant 0 : i32
    %dma_start3A_220 = arith.constant 0 : i32
    %dma_start3A_221 = tpu.memref_slice %arg7[%arg1, %dma_start3A_219, %dma_start3A_220] : memref<16x512x32xf32, #tpu.memory_space<vmem_shared>> -> memref<1x512x32xf32, #tpu.memory_space<vmem_shared>>
    %dma_start3A_222 = tpu.memref_squeeze %dma_start3A_221 : memref<1x512x32xf32, #tpu.memory_space<vmem_shared>> -> memref<512x32xf32, #tpu.memory_space<vmem_shared>>
    %dma_start3A_223 = arith.constant 0 : i32
    %dma_start3A_224 = arith.constant 0 : i32
    %dma_start3A_225 = tpu.memref_slice %dma_start3A_222[%dma_start3A_223, %dma_start3A_224] : memref<512x32xf32, #tpu.memory_space<vmem_shared>> -> memref<512x32xf32, #tpu.memory_space<vmem_shared>>
    tpu.enqueue_indirect_dma source(%dma_start3A_225 : memref<512x32xf32, #tpu.memory_space<vmem_shared>>) target(%dma_start3A_215 : memref<128x32xf32, #tpu.memory_space<vmem>>) offsets(%dma_start3A_218 : memref<128xi32, #tpu.memory_space<vmem>>) semaphore(%arg8 : memref<!tpu.dma_semaphore, #tpu.memory_space<semaphore_mem>>)
    %dma_start3A_226 = arith.constant 14 : i32
    %dma_start3A_227 = arith.constant 1 : i32
    %dma_start3A_228 = arith.constant 768 : i32
    %dma_start3A_229 = arith.constant 0 : i32
    %dma_start3A_230 = tpu.memref_slice %arg6[%dma_start3A_227, %dma_start3A_228, %dma_start3A_229] : memref<2x1024x32xf32, #tpu.memory_space<vmem>> -> memref<1x128x32xf32, #tpu.memory_space<vmem>>
    %dma_start3A_231 = tpu.memref_squeeze %dma_start3A_230 : memref<1x128x32xf32, #tpu.memory_space<vmem>> -> memref<128x32xf32, #tpu.memory_space<vmem>>
    %dma_start3A_232 = arith.constant 0 : i32
    %dma_start3A_233 = tpu.memref_slice %arg5[%dma_start3A_226, %dma_start3A_232] : memref<32x128xi32, #tpu.memory_space<vmem>> -> memref<1x128xi32, #tpu.memory_space<vmem>>
    %dma_start3A_234 = tpu.memref_squeeze %dma_start3A_233 : memref<1x128xi32, #tpu.memory_space<vmem>> -> memref<128xi32, #tpu.memory_space<vmem>>
    %dma_start3A_235 = arith.constant 0 : i32
    %dma_start3A_236 = arith.constant 0 : i32
    %dma_start3A_237 = tpu.memref_slice %arg7[%arg1, %dma_start3A_235, %dma_start3A_236] : memref<16x512x32xf32, #tpu.memory_space<vmem_shared>> -> memref<1x512x32xf32, #tpu.memory_space<vmem_shared>>
    %dma_start3A_238 = tpu.memref_squeeze %dma_start3A_237 : memref<1x512x32xf32, #tpu.memory_space<vmem_shared>> -> memref<512x32xf32, #tpu.memory_space<vmem_shared>>
    %dma_start3A_239 = arith.constant 0 : i32
    %dma_start3A_240 = arith.constant 0 : i32
    %dma_start3A_241 = tpu.memref_slice %dma_start3A_238[%dma_start3A_239, %dma_start3A_240] : memref<512x32xf32, #tpu.memory_space<vmem_shared>> -> memref<512x32xf32, #tpu.memory_space<vmem_shared>>
    tpu.enqueue_indirect_dma source(%dma_start3A_241 : memref<512x32xf32, #tpu.memory_space<vmem_shared>>) target(%dma_start3A_231 : memref<128x32xf32, #tpu.memory_space<vmem>>) offsets(%dma_start3A_234 : memref<128xi32, #tpu.memory_space<vmem>>) semaphore(%arg8 : memref<!tpu.dma_semaphore, #tpu.memory_space<semaphore_mem>>)
    %dma_start3A_242 = arith.constant 15 : i32
    %dma_start3A_243 = arith.constant 1 : i32
    %dma_start3A_244 = arith.constant 896 : i32
    %dma_start3A_245 = arith.constant 0 : i32
    %dma_start3A_246 = tpu.memref_slice %arg6[%dma_start3A_243, %dma_start3A_244, %dma_start3A_245] : memref<2x1024x32xf32, #tpu.memory_space<vmem>> -> memref<1x128x32xf32, #tpu.memory_space<vmem>>
    %dma_start3A_247 = tpu.memref_squeeze %dma_start3A_246 : memref<1x128x32xf32, #tpu.memory_space<vmem>> -> memref<128x32xf32, #tpu.memory_space<vmem>>
    %dma_start3A_248 = arith.constant 0 : i32
    %dma_start3A_249 = tpu.memref_slice %arg5[%dma_start3A_242, %dma_start3A_248] : memref<32x128xi32, #tpu.memory_space<vmem>> -> memref<1x128xi32, #tpu.memory_space<vmem>>
    %dma_start3A_250 = tpu.memref_squeeze %dma_start3A_249 : memref<1x128xi32, #tpu.memory_space<vmem>> -> memref<128xi32, #tpu.memory_space<vmem>>
    %dma_start3A_251 = arith.constant 0 : i32
    %dma_start3A_252 = arith.constant 0 : i32
    %dma_start3A_253 = tpu.memref_slice %arg7[%arg1, %dma_start3A_251, %dma_start3A_252] : memref<16x512x32xf32, #tpu.memory_space<vmem_shared>> -> memref<1x512x32xf32, #tpu.memory_space<vmem_shared>>
    %dma_start3A_254 = tpu.memref_squeeze %dma_start3A_253 : memref<1x512x32xf32, #tpu.memory_space<vmem_shared>> -> memref<512x32xf32, #tpu.memory_space<vmem_shared>>
    %dma_start3A_255 = arith.constant 0 : i32
    %dma_start3A_256 = arith.constant 0 : i32
    %dma_start3A_257 = tpu.memref_slice %dma_start3A_254[%dma_start3A_255, %dma_start3A_256] : memref<512x32xf32, #tpu.memory_space<vmem_shared>> -> memref<512x32xf32, #tpu.memory_space<vmem_shared>>
    tpu.enqueue_indirect_dma source(%dma_start3A_257 : memref<512x32xf32, #tpu.memory_space<vmem_shared>>) target(%dma_start3A_247 : memref<128x32xf32, #tpu.memory_space<vmem>>) offsets(%dma_start3A_250 : memref<128xi32, #tpu.memory_space<vmem>>) semaphore(%arg8 : memref<!tpu.dma_semaphore, #tpu.memory_space<semaphore_mem>>)
    %dma_wait3A = arith.constant 0 : i32
    %dma_wait3A_258 = arith.constant 0 : i32
    %dma_wait3A_259 = arith.constant 0 : i32
    %dma_wait3A_260 = arith.constant 0 : i32
    %dma_wait3A_261 = tpu.memref_slice %arg6[%dma_wait3A_258, %dma_wait3A_259, %dma_wait3A_260] : memref<2x1024x32xf32, #tpu.memory_space<vmem>> -> memref<1x128x32xf32, #tpu.memory_space<vmem>>
    %dma_wait3A_262 = tpu.memref_squeeze %dma_wait3A_261 : memref<1x128x32xf32, #tpu.memory_space<vmem>> -> memref<128x32xf32, #tpu.memory_space<vmem>>
    %dma_wait3A_263 = arith.constant 0 : i32
    %dma_wait3A_264 = tpu.memref_slice %arg5[%dma_wait3A, %dma_wait3A_263] : memref<32x128xi32, #tpu.memory_space<vmem>> -> memref<1x128xi32, #tpu.memory_space<vmem>>
    %dma_wait3A_265 = tpu.memref_squeeze %dma_wait3A_264 : memref<1x128xi32, #tpu.memory_space<vmem>> -> memref<128xi32, #tpu.memory_space<vmem>>
    %dma_wait3A_266 = arith.constant 0 : i32
    %dma_wait3A_267 = arith.constant 0 : i32
    %dma_wait3A_268 = tpu.memref_slice %arg7[%arg1, %dma_wait3A_266, %dma_wait3A_267] : memref<16x512x32xf32, #tpu.memory_space<vmem_shared>> -> memref<1x512x32xf32, #tpu.memory_space<vmem_shared>>
    %dma_wait3A_269 = tpu.memref_squeeze %dma_wait3A_268 : memref<1x512x32xf32, #tpu.memory_space<vmem_shared>> -> memref<512x32xf32, #tpu.memory_space<vmem_shared>>
    %dma_wait3A_270 = arith.constant 0 : i32
    %dma_wait3A_271 = arith.constant 0 : i32
    %dma_wait3A_272 = tpu.memref_slice %dma_wait3A_269[%dma_wait3A_270, %dma_wait3A_271] : memref<512x32xf32, #tpu.memory_space<vmem_shared>> -> memref<512x32xf32, #tpu.memory_space<vmem_shared>>
    tpu.wait_indirect_dma semaphore(%arg8 : memref<!tpu.dma_semaphore, #tpu.memory_space<semaphore_mem>>) src(%dma_wait3A_272 : memref<512x32xf32, #tpu.memory_space<vmem_shared>>) dst(%dma_wait3A_262 : memref<128x32xf32, #tpu.memory_space<vmem>>)
    %dma_wait3A_273 = arith.constant 1 : i32
    %dma_wait3A_274 = arith.constant 0 : i32
    %dma_wait3A_275 = arith.constant 128 : i32
    %dma_wait3A_276 = arith.constant 0 : i32
    %dma_wait3A_277 = tpu.memref_slice %arg6[%dma_wait3A_274, %dma_wait3A_275, %dma_wait3A_276] : memref<2x1024x32xf32, #tpu.memory_space<vmem>> -> memref<1x128x32xf32, #tpu.memory_space<vmem>>
    %dma_wait3A_278 = tpu.memref_squeeze %dma_wait3A_277 : memref<1x128x32xf32, #tpu.memory_space<vmem>> -> memref<128x32xf32, #tpu.memory_space<vmem>>
    %dma_wait3A_279 = arith.constant 0 : i32
    %dma_wait3A_280 = tpu.memref_slice %arg5[%dma_wait3A_273, %dma_wait3A_279] : memref<32x128xi32, #tpu.memory_space<vmem>> -> memref<1x128xi32, #tpu.memory_space<vmem>>
    %dma_wait3A_281 = tpu.memref_squeeze %dma_wait3A_280 : memref<1x128xi32, #tpu.memory_space<vmem>> -> memref<128xi32, #tpu.memory_space<vmem>>
    %dma_wait3A_282 = arith.constant 0 : i32
    %dma_wait3A_283 = arith.constant 0 : i32
    %dma_wait3A_284 = tpu.memref_slice %arg7[%arg1, %dma_wait3A_282, %dma_wait3A_283] : memref<16x512x32xf32, #tpu.memory_space<vmem_shared>> -> memref<1x512x32xf32, #tpu.memory_space<vmem_shared>>
    %dma_wait3A_285 = tpu.memref_squeeze %dma_wait3A_284 : memref<1x512x32xf32, #tpu.memory_space<vmem_shared>> -> memref<512x32xf32, #tpu.memory_space<vmem_shared>>
    %dma_wait3A_286 = arith.constant 0 : i32
    %dma_wait3A_287 = arith.constant 0 : i32
    %dma_wait3A_288 = tpu.memref_slice %dma_wait3A_285[%dma_wait3A_286, %dma_wait3A_287] : memref<512x32xf32, #tpu.memory_space<vmem_shared>> -> memref<512x32xf32, #tpu.memory_space<vmem_shared>>
    tpu.wait_indirect_dma semaphore(%arg8 : memref<!tpu.dma_semaphore, #tpu.memory_space<semaphore_mem>>) src(%dma_wait3A_288 : memref<512x32xf32, #tpu.memory_space<vmem_shared>>) dst(%dma_wait3A_278 : memref<128x32xf32, #tpu.memory_space<vmem>>)
    %dma_wait3A_289 = arith.constant 2 : i32
    %dma_wait3A_290 = arith.constant 0 : i32
    %dma_wait3A_291 = arith.constant 256 : i32
    %dma_wait3A_292 = arith.constant 0 : i32
    %dma_wait3A_293 = tpu.memref_slice %arg6[%dma_wait3A_290, %dma_wait3A_291, %dma_wait3A_292] : memref<2x1024x32xf32, #tpu.memory_space<vmem>> -> memref<1x128x32xf32, #tpu.memory_space<vmem>>
    %dma_wait3A_294 = tpu.memref_squeeze %dma_wait3A_293 : memref<1x128x32xf32, #tpu.memory_space<vmem>> -> memref<128x32xf32, #tpu.memory_space<vmem>>
    %dma_wait3A_295 = arith.constant 0 : i32
    %dma_wait3A_296 = tpu.memref_slice %arg5[%dma_wait3A_289, %dma_wait3A_295] : memref<32x128xi32, #tpu.memory_space<vmem>> -> memref<1x128xi32, #tpu.memory_space<vmem>>
    %dma_wait3A_297 = tpu.memref_squeeze %dma_wait3A_296 : memref<1x128xi32, #tpu.memory_space<vmem>> -> memref<128xi32, #tpu.memory_space<vmem>>
    %dma_wait3A_298 = arith.constant 0 : i32
    %dma_wait3A_299 = arith.constant 0 : i32
    %dma_wait3A_300 = tpu.memref_slice %arg7[%arg1, %dma_wait3A_298, %dma_wait3A_299] : memref<16x512x32xf32, #tpu.memory_space<vmem_shared>> -> memref<1x512x32xf32, #tpu.memory_space<vmem_shared>>
    %dma_wait3A_301 = tpu.memref_squeeze %dma_wait3A_300 : memref<1x512x32xf32, #tpu.memory_space<vmem_shared>> -> memref<512x32xf32, #tpu.memory_space<vmem_shared>>
    %dma_wait3A_302 = arith.constant 0 : i32
    %dma_wait3A_303 = arith.constant 0 : i32
    %dma_wait3A_304 = tpu.memref_slice %dma_wait3A_301[%dma_wait3A_302, %dma_wait3A_303] : memref<512x32xf32, #tpu.memory_space<vmem_shared>> -> memref<512x32xf32, #tpu.memory_space<vmem_shared>>
    tpu.wait_indirect_dma semaphore(%arg8 : memref<!tpu.dma_semaphore, #tpu.memory_space<semaphore_mem>>) src(%dma_wait3A_304 : memref<512x32xf32, #tpu.memory_space<vmem_shared>>) dst(%dma_wait3A_294 : memref<128x32xf32, #tpu.memory_space<vmem>>)
    %dma_wait3A_305 = arith.constant 3 : i32
    %dma_wait3A_306 = arith.constant 0 : i32
    %dma_wait3A_307 = arith.constant 384 : i32
    %dma_wait3A_308 = arith.constant 0 : i32
    %dma_wait3A_309 = tpu.memref_slice %arg6[%dma_wait3A_306, %dma_wait3A_307, %dma_wait3A_308] : memref<2x1024x32xf32, #tpu.memory_space<vmem>> -> memref<1x128x32xf32, #tpu.memory_space<vmem>>
    %dma_wait3A_310 = tpu.memref_squeeze %dma_wait3A_309 : memref<1x128x32xf32, #tpu.memory_space<vmem>> -> memref<128x32xf32, #tpu.memory_space<vmem>>
    %dma_wait3A_311 = arith.constant 0 : i32
    %dma_wait3A_312 = tpu.memref_slice %arg5[%dma_wait3A_305, %dma_wait3A_311] : memref<32x128xi32, #tpu.memory_space<vmem>> -> memref<1x128xi32, #tpu.memory_space<vmem>>
    %dma_wait3A_313 = tpu.memref_squeeze %dma_wait3A_312 : memref<1x128xi32, #tpu.memory_space<vmem>> -> memref<128xi32, #tpu.memory_space<vmem>>
    %dma_wait3A_314 = arith.constant 0 : i32
    %dma_wait3A_315 = arith.constant 0 : i32
    %dma_wait3A_316 = tpu.memref_slice %arg7[%arg1, %dma_wait3A_314, %dma_wait3A_315] : memref<16x512x32xf32, #tpu.memory_space<vmem_shared>> -> memref<1x512x32xf32, #tpu.memory_space<vmem_shared>>
    %dma_wait3A_317 = tpu.memref_squeeze %dma_wait3A_316 : memref<1x512x32xf32, #tpu.memory_space<vmem_shared>> -> memref<512x32xf32, #tpu.memory_space<vmem_shared>>
    %dma_wait3A_318 = arith.constant 0 : i32
    %dma_wait3A_319 = arith.constant 0 : i32
    %dma_wait3A_320 = tpu.memref_slice %dma_wait3A_317[%dma_wait3A_318, %dma_wait3A_319] : memref<512x32xf32, #tpu.memory_space<vmem_shared>> -> memref<512x32xf32, #tpu.memory_space<vmem_shared>>
    tpu.wait_indirect_dma semaphore(%arg8 : memref<!tpu.dma_semaphore, #tpu.memory_space<semaphore_mem>>) src(%dma_wait3A_320 : memref<512x32xf32, #tpu.memory_space<vmem_shared>>) dst(%dma_wait3A_310 : memref<128x32xf32, #tpu.memory_space<vmem>>)
    %dma_wait3A_321 = arith.constant 4 : i32
    %dma_wait3A_322 = arith.constant 0 : i32
    %dma_wait3A_323 = arith.constant 512 : i32
    %dma_wait3A_324 = arith.constant 0 : i32
    %dma_wait3A_325 = tpu.memref_slice %arg6[%dma_wait3A_322, %dma_wait3A_323, %dma_wait3A_324] : memref<2x1024x32xf32, #tpu.memory_space<vmem>> -> memref<1x128x32xf32, #tpu.memory_space<vmem>>
    %dma_wait3A_326 = tpu.memref_squeeze %dma_wait3A_325 : memref<1x128x32xf32, #tpu.memory_space<vmem>> -> memref<128x32xf32, #tpu.memory_space<vmem>>
    %dma_wait3A_327 = arith.constant 0 : i32
    %dma_wait3A_328 = tpu.memref_slice %arg5[%dma_wait3A_321, %dma_wait3A_327] : memref<32x128xi32, #tpu.memory_space<vmem>> -> memref<1x128xi32, #tpu.memory_space<vmem>>
    %dma_wait3A_329 = tpu.memref_squeeze %dma_wait3A_328 : memref<1x128xi32, #tpu.memory_space<vmem>> -> memref<128xi32, #tpu.memory_space<vmem>>
    %dma_wait3A_330 = arith.constant 0 : i32
    %dma_wait3A_331 = arith.constant 0 : i32
    %dma_wait3A_332 = tpu.memref_slice %arg7[%arg1, %dma_wait3A_330, %dma_wait3A_331] : memref<16x512x32xf32, #tpu.memory_space<vmem_shared>> -> memref<1x512x32xf32, #tpu.memory_space<vmem_shared>>
    %dma_wait3A_333 = tpu.memref_squeeze %dma_wait3A_332 : memref<1x512x32xf32, #tpu.memory_space<vmem_shared>> -> memref<512x32xf32, #tpu.memory_space<vmem_shared>>
    %dma_wait3A_334 = arith.constant 0 : i32
    %dma_wait3A_335 = arith.constant 0 : i32
    %dma_wait3A_336 = tpu.memref_slice %dma_wait3A_333[%dma_wait3A_334, %dma_wait3A_335] : memref<512x32xf32, #tpu.memory_space<vmem_shared>> -> memref<512x32xf32, #tpu.memory_space<vmem_shared>>
    tpu.wait_indirect_dma semaphore(%arg8 : memref<!tpu.dma_semaphore, #tpu.memory_space<semaphore_mem>>) src(%dma_wait3A_336 : memref<512x32xf32, #tpu.memory_space<vmem_shared>>) dst(%dma_wait3A_326 : memref<128x32xf32, #tpu.memory_space<vmem>>)
    %dma_wait3A_337 = arith.constant 5 : i32
    %dma_wait3A_338 = arith.constant 0 : i32
    %dma_wait3A_339 = arith.constant 640 : i32
    %dma_wait3A_340 = arith.constant 0 : i32
    %dma_wait3A_341 = tpu.memref_slice %arg6[%dma_wait3A_338, %dma_wait3A_339, %dma_wait3A_340] : memref<2x1024x32xf32, #tpu.memory_space<vmem>> -> memref<1x128x32xf32, #tpu.memory_space<vmem>>
    %dma_wait3A_342 = tpu.memref_squeeze %dma_wait3A_341 : memref<1x128x32xf32, #tpu.memory_space<vmem>> -> memref<128x32xf32, #tpu.memory_space<vmem>>
    %dma_wait3A_343 = arith.constant 0 : i32
    %dma_wait3A_344 = tpu.memref_slice %arg5[%dma_wait3A_337, %dma_wait3A_343] : memref<32x128xi32, #tpu.memory_space<vmem>> -> memref<1x128xi32, #tpu.memory_space<vmem>>
    %dma_wait3A_345 = tpu.memref_squeeze %dma_wait3A_344 : memref<1x128xi32, #tpu.memory_space<vmem>> -> memref<128xi32, #tpu.memory_space<vmem>>
    %dma_wait3A_346 = arith.constant 0 : i32
    %dma_wait3A_347 = arith.constant 0 : i32
    %dma_wait3A_348 = tpu.memref_slice %arg7[%arg1, %dma_wait3A_346, %dma_wait3A_347] : memref<16x512x32xf32, #tpu.memory_space<vmem_shared>> -> memref<1x512x32xf32, #tpu.memory_space<vmem_shared>>
    %dma_wait3A_349 = tpu.memref_squeeze %dma_wait3A_348 : memref<1x512x32xf32, #tpu.memory_space<vmem_shared>> -> memref<512x32xf32, #tpu.memory_space<vmem_shared>>
    %dma_wait3A_350 = arith.constant 0 : i32
    %dma_wait3A_351 = arith.constant 0 : i32
    %dma_wait3A_352 = tpu.memref_slice %dma_wait3A_349[%dma_wait3A_350, %dma_wait3A_351] : memref<512x32xf32, #tpu.memory_space<vmem_shared>> -> memref<512x32xf32, #tpu.memory_space<vmem_shared>>
    tpu.wait_indirect_dma semaphore(%arg8 : memref<!tpu.dma_semaphore, #tpu.memory_space<semaphore_mem>>) src(%dma_wait3A_352 : memref<512x32xf32, #tpu.memory_space<vmem_shared>>) dst(%dma_wait3A_342 : memref<128x32xf32, #tpu.memory_space<vmem>>)
    %dma_wait3A_353 = arith.constant 6 : i32
    %dma_wait3A_354 = arith.constant 0 : i32
    %dma_wait3A_355 = arith.constant 768 : i32
    %dma_wait3A_356 = arith.constant 0 : i32
    %dma_wait3A_357 = tpu.memref_slice %arg6[%dma_wait3A_354, %dma_wait3A_355, %dma_wait3A_356] : memref<2x1024x32xf32, #tpu.memory_space<vmem>> -> memref<1x128x32xf32, #tpu.memory_space<vmem>>
    %dma_wait3A_358 = tpu.memref_squeeze %dma_wait3A_357 : memref<1x128x32xf32, #tpu.memory_space<vmem>> -> memref<128x32xf32, #tpu.memory_space<vmem>>
    %dma_wait3A_359 = arith.constant 0 : i32
    %dma_wait3A_360 = tpu.memref_slice %arg5[%dma_wait3A_353, %dma_wait3A_359] : memref<32x128xi32, #tpu.memory_space<vmem>> -> memref<1x128xi32, #tpu.memory_space<vmem>>
    %dma_wait3A_361 = tpu.memref_squeeze %dma_wait3A_360 : memref<1x128xi32, #tpu.memory_space<vmem>> -> memref<128xi32, #tpu.memory_space<vmem>>
    %dma_wait3A_362 = arith.constant 0 : i32
    %dma_wait3A_363 = arith.constant 0 : i32
    %dma_wait3A_364 = tpu.memref_slice %arg7[%arg1, %dma_wait3A_362, %dma_wait3A_363] : memref<16x512x32xf32, #tpu.memory_space<vmem_shared>> -> memref<1x512x32xf32, #tpu.memory_space<vmem_shared>>
    %dma_wait3A_365 = tpu.memref_squeeze %dma_wait3A_364 : memref<1x512x32xf32, #tpu.memory_space<vmem_shared>> -> memref<512x32xf32, #tpu.memory_space<vmem_shared>>
    %dma_wait3A_366 = arith.constant 0 : i32
    %dma_wait3A_367 = arith.constant 0 : i32
    %dma_wait3A_368 = tpu.memref_slice %dma_wait3A_365[%dma_wait3A_366, %dma_wait3A_367] : memref<512x32xf32, #tpu.memory_space<vmem_shared>> -> memref<512x32xf32, #tpu.memory_space<vmem_shared>>
    tpu.wait_indirect_dma semaphore(%arg8 : memref<!tpu.dma_semaphore, #tpu.memory_space<semaphore_mem>>) src(%dma_wait3A_368 : memref<512x32xf32, #tpu.memory_space<vmem_shared>>) dst(%dma_wait3A_358 : memref<128x32xf32, #tpu.memory_space<vmem>>)
    %dma_wait3A_369 = arith.constant 7 : i32
    %dma_wait3A_370 = arith.constant 0 : i32
    %dma_wait3A_371 = arith.constant 896 : i32
    %dma_wait3A_372 = arith.constant 0 : i32
    %dma_wait3A_373 = tpu.memref_slice %arg6[%dma_wait3A_370, %dma_wait3A_371, %dma_wait3A_372] : memref<2x1024x32xf32, #tpu.memory_space<vmem>> -> memref<1x128x32xf32, #tpu.memory_space<vmem>>
    %dma_wait3A_374 = tpu.memref_squeeze %dma_wait3A_373 : memref<1x128x32xf32, #tpu.memory_space<vmem>> -> memref<128x32xf32, #tpu.memory_space<vmem>>
    %dma_wait3A_375 = arith.constant 0 : i32
    %dma_wait3A_376 = tpu.memref_slice %arg5[%dma_wait3A_369, %dma_wait3A_375] : memref<32x128xi32, #tpu.memory_space<vmem>> -> memref<1x128xi32, #tpu.memory_space<vmem>>
    %dma_wait3A_377 = tpu.memref_squeeze %dma_wait3A_376 : memref<1x128xi32, #tpu.memory_space<vmem>> -> memref<128xi32, #tpu.memory_space<vmem>>
    %dma_wait3A_378 = arith.constant 0 : i32
    %dma_wait3A_379 = arith.constant 0 : i32
    %dma_wait3A_380 = tpu.memref_slice %arg7[%arg1, %dma_wait3A_378, %dma_wait3A_379] : memref<16x512x32xf32, #tpu.memory_space<vmem_shared>> -> memref<1x512x32xf32, #tpu.memory_space<vmem_shared>>
    %dma_wait3A_381 = tpu.memref_squeeze %dma_wait3A_380 : memref<1x512x32xf32, #tpu.memory_space<vmem_shared>> -> memref<512x32xf32, #tpu.memory_space<vmem_shared>>
    %dma_wait3A_382 = arith.constant 0 : i32
    %dma_wait3A_383 = arith.constant 0 : i32
    %dma_wait3A_384 = tpu.memref_slice %dma_wait3A_381[%dma_wait3A_382, %dma_wait3A_383] : memref<512x32xf32, #tpu.memory_space<vmem_shared>> -> memref<512x32xf32, #tpu.memory_space<vmem_shared>>
    tpu.wait_indirect_dma semaphore(%arg8 : memref<!tpu.dma_semaphore, #tpu.memory_space<semaphore_mem>>) src(%dma_wait3A_384 : memref<512x32xf32, #tpu.memory_space<vmem_shared>>) dst(%dma_wait3A_374 : memref<128x32xf32, #tpu.memory_space<vmem>>)
    %add3A_385 = arith.constant 0 : i32
    %add3A_386 = arith.addi %mul3A_2, %add3A_385 : i32
    %dma_start3A_387 = arith.constant 0 : i32
    %dma_start3A_388 = arith.constant 0 : i32
    %dma_start3A_389 = arith.constant 0 : i32
    %dma_start3A_390 = tpu.memref_slice %arg6[%dma_start3A_387, %dma_start3A_388, %dma_start3A_389] : memref<2x1024x32xf32, #tpu.memory_space<vmem>> -> memref<1x1024x32xf32, #tpu.memory_space<vmem>>
    %dma_start3A_391 = tpu.memref_squeeze %dma_start3A_390 : memref<1x1024x32xf32, #tpu.memory_space<vmem>> -> memref<1024x32xf32, #tpu.memory_space<vmem>>
    %dma_start3A_392 = arith.constant 0 : i32
    %dma_start3A_393 = tpu.memref_slice %arg4[%add3A_386, %dma_start3A_392] : memref<131072x32xf32, #tpu.memory_space<hbm>> -> memref<1024x32xf32, #tpu.memory_space<hbm>>
    %dma_start3A_394 = arith.constant 0 : i32
    %dma_start3A_395 = tpu.memref_slice %arg4[%add3A_386, %dma_start3A_394] : memref<131072x32xf32, #tpu.memory_space<hbm>> -> memref<1024x32xf32, #tpu.memory_space<hbm>>
    %dma_start3A_396 = arith.constant 0 : i32
    %dma_start3A_397 = arith.constant 0 : i32
    %dma_start3A_398 = tpu.memref_slice %arg6[%dma_start3A_387, %dma_start3A_396, %dma_start3A_397] : memref<2x1024x32xf32, #tpu.memory_space<vmem>> -> memref<1x1024x32xf32, #tpu.memory_space<vmem>>
    %dma_start3A_399 = tpu.memref_squeeze %dma_start3A_398 : memref<1x1024x32xf32, #tpu.memory_space<vmem>> -> memref<1024x32xf32, #tpu.memory_space<vmem>>
    tpu.enqueue_dma source(%dma_start3A_399 : memref<1024x32xf32, #tpu.memory_space<vmem>>) target(%dma_start3A_395 : memref<1024x32xf32, #tpu.memory_space<hbm>>) target_semaphore(%arg9 : memref<!tpu.dma_semaphore, #tpu.memory_space<semaphore_mem>>)
    %dma_wait3A_400 = arith.constant 0 : i32
    %dma_wait3A_401 = arith.constant 0 : i32
    %dma_wait3A_402 = arith.constant 0 : i32
    %dma_wait3A_403 = tpu.memref_slice %arg6[%dma_wait3A_400, %dma_wait3A_401, %dma_wait3A_402] : memref<2x1024x32xf32, #tpu.memory_space<vmem>> -> memref<1x1024x32xf32, #tpu.memory_space<vmem>>
    %dma_wait3A_404 = tpu.memref_squeeze %dma_wait3A_403 : memref<1x1024x32xf32, #tpu.memory_space<vmem>> -> memref<1024x32xf32, #tpu.memory_space<vmem>>
    %dma_wait3A_405 = arith.constant 0 : i32
    %dma_wait3A_406 = tpu.memref_slice %arg4[%add3A_386, %dma_wait3A_405] : memref<131072x32xf32, #tpu.memory_space<hbm>> -> memref<1024x32xf32, #tpu.memory_space<hbm>>
    %dma_wait3A_407 = arith.constant 0 : i32
    %dma_wait3A_408 = tpu.memref_slice %arg4[%add3A_386, %dma_wait3A_407] : memref<131072x32xf32, #tpu.memory_space<hbm>> -> memref<1024x32xf32, #tpu.memory_space<hbm>>
    %dma_wait3A_409 = arith.constant 0 : i32
    %dma_wait3A_410 = arith.constant 0 : i32
    %dma_wait3A_411 = tpu.memref_slice %arg6[%dma_wait3A_400, %dma_wait3A_409, %dma_wait3A_410] : memref<2x1024x32xf32, #tpu.memory_space<vmem>> -> memref<1x1024x32xf32, #tpu.memory_space<vmem>>
    %dma_wait3A_412 = tpu.memref_squeeze %dma_wait3A_411 : memref<1x1024x32xf32, #tpu.memory_space<vmem>> -> memref<1024x32xf32, #tpu.memory_space<vmem>>
    tpu.wait_dma2 semaphore(%arg9 : memref<!tpu.dma_semaphore, #tpu.memory_space<semaphore_mem>>) src(%dma_wait3A_412 : memref<1024x32xf32, #tpu.memory_space<vmem>>) dst(%dma_wait3A_408 : memref<1024x32xf32, #tpu.memory_space<hbm>>)
    %dma_start3A_413 = arith.constant 16 : i32
    %dma_start3A_414 = arith.constant 0 : i32
    %dma_start3A_415 = arith.constant 0 : i32
    %dma_start3A_416 = arith.constant 0 : i32
    %dma_start3A_417 = tpu.memref_slice %arg6[%dma_start3A_414, %dma_start3A_415, %dma_start3A_416] : memref<2x1024x32xf32, #tpu.memory_space<vmem>> -> memref<1x128x32xf32, #tpu.memory_space<vmem>>
    %dma_start3A_418 = tpu.memref_squeeze %dma_start3A_417 : memref<1x128x32xf32, #tpu.memory_space<vmem>> -> memref<128x32xf32, #tpu.memory_space<vmem>>
    %dma_start3A_419 = arith.constant 0 : i32
    %dma_start3A_420 = tpu.memref_slice %arg5[%dma_start3A_413, %dma_start3A_419] : memref<32x128xi32, #tpu.memory_space<vmem>> -> memref<1x128xi32, #tpu.memory_space<vmem>>
    %dma_start3A_421 = tpu.memref_squeeze %dma_start3A_420 : memref<1x128xi32, #tpu.memory_space<vmem>> -> memref<128xi32, #tpu.memory_space<vmem>>
    %dma_start3A_422 = arith.constant 0 : i32
    %dma_start3A_423 = arith.constant 0 : i32
    %dma_start3A_424 = tpu.memref_slice %arg7[%arg1, %dma_start3A_422, %dma_start3A_423] : memref<16x512x32xf32, #tpu.memory_space<vmem_shared>> -> memref<1x512x32xf32, #tpu.memory_space<vmem_shared>>
    %dma_start3A_425 = tpu.memref_squeeze %dma_start3A_424 : memref<1x512x32xf32, #tpu.memory_space<vmem_shared>> -> memref<512x32xf32, #tpu.memory_space<vmem_shared>>
    %dma_start3A_426 = arith.constant 0 : i32
    %dma_start3A_427 = arith.constant 0 : i32
    %dma_start3A_428 = tpu.memref_slice %dma_start3A_425[%dma_start3A_426, %dma_start3A_427] : memref<512x32xf32, #tpu.memory_space<vmem_shared>> -> memref<512x32xf32, #tpu.memory_space<vmem_shared>>
    tpu.enqueue_indirect_dma source(%dma_start3A_428 : memref<512x32xf32, #tpu.memory_space<vmem_shared>>) target(%dma_start3A_418 : memref<128x32xf32, #tpu.memory_space<vmem>>) offsets(%dma_start3A_421 : memref<128xi32, #tpu.memory_space<vmem>>) semaphore(%arg8 : memref<!tpu.dma_semaphore, #tpu.memory_space<semaphore_mem>>)
    %dma_start3A_429 = arith.constant 17 : i32
    %dma_start3A_430 = arith.constant 0 : i32
    %dma_start3A_431 = arith.constant 128 : i32
    %dma_start3A_432 = arith.constant 0 : i32
    %dma_start3A_433 = tpu.memref_slice %arg6[%dma_start3A_430, %dma_start3A_431, %dma_start3A_432] : memref<2x1024x32xf32, #tpu.memory_space<vmem>> -> memref<1x128x32xf32, #tpu.memory_space<vmem>>
    %dma_start3A_434 = tpu.memref_squeeze %dma_start3A_433 : memref<1x128x32xf32, #tpu.memory_space<vmem>> -> memref<128x32xf32, #tpu.memory_space<vmem>>
    %dma_start3A_435 = arith.constant 0 : i32
    %dma_start3A_436 = tpu.memref_slice %arg5[%dma_start3A_429, %dma_start3A_435] : memref<32x128xi32, #tpu.memory_space<vmem>> -> memref<1x128xi32, #tpu.memory_space<vmem>>
    %dma_start3A_437 = tpu.memref_squeeze %dma_start3A_436 : memref<1x128xi32, #tpu.memory_space<vmem>> -> memref<128xi32, #tpu.memory_space<vmem>>
    %dma_start3A_438 = arith.constant 0 : i32
    %dma_start3A_439 = arith.constant 0 : i32
    %dma_start3A_440 = tpu.memref_slice %arg7[%arg1, %dma_start3A_438, %dma_start3A_439] : memref<16x512x32xf32, #tpu.memory_space<vmem_shared>> -> memref<1x512x32xf32, #tpu.memory_space<vmem_shared>>
    %dma_start3A_441 = tpu.memref_squeeze %dma_start3A_440 : memref<1x512x32xf32, #tpu.memory_space<vmem_shared>> -> memref<512x32xf32, #tpu.memory_space<vmem_shared>>
    %dma_start3A_442 = arith.constant 0 : i32
    %dma_start3A_443 = arith.constant 0 : i32
    %dma_start3A_444 = tpu.memref_slice %dma_start3A_441[%dma_start3A_442, %dma_start3A_443] : memref<512x32xf32, #tpu.memory_space<vmem_shared>> -> memref<512x32xf32, #tpu.memory_space<vmem_shared>>
    tpu.enqueue_indirect_dma source(%dma_start3A_444 : memref<512x32xf32, #tpu.memory_space<vmem_shared>>) target(%dma_start3A_434 : memref<128x32xf32, #tpu.memory_space<vmem>>) offsets(%dma_start3A_437 : memref<128xi32, #tpu.memory_space<vmem>>) semaphore(%arg8 : memref<!tpu.dma_semaphore, #tpu.memory_space<semaphore_mem>>)
    %dma_start3A_445 = arith.constant 18 : i32
    %dma_start3A_446 = arith.constant 0 : i32
    %dma_start3A_447 = arith.constant 256 : i32
    %dma_start3A_448 = arith.constant 0 : i32
    %dma_start3A_449 = tpu.memref_slice %arg6[%dma_start3A_446, %dma_start3A_447, %dma_start3A_448] : memref<2x1024x32xf32, #tpu.memory_space<vmem>> -> memref<1x128x32xf32, #tpu.memory_space<vmem>>
    %dma_start3A_450 = tpu.memref_squeeze %dma_start3A_449 : memref<1x128x32xf32, #tpu.memory_space<vmem>> -> memref<128x32xf32, #tpu.memory_space<vmem>>
    %dma_start3A_451 = arith.constant 0 : i32
    %dma_start3A_452 = tpu.memref_slice %arg5[%dma_start3A_445, %dma_start3A_451] : memref<32x128xi32, #tpu.memory_space<vmem>> -> memref<1x128xi32, #tpu.memory_space<vmem>>
    %dma_start3A_453 = tpu.memref_squeeze %dma_start3A_452 : memref<1x128xi32, #tpu.memory_space<vmem>> -> memref<128xi32, #tpu.memory_space<vmem>>
    %dma_start3A_454 = arith.constant 0 : i32
    %dma_start3A_455 = arith.constant 0 : i32
    %dma_start3A_456 = tpu.memref_slice %arg7[%arg1, %dma_start3A_454, %dma_start3A_455] : memref<16x512x32xf32, #tpu.memory_space<vmem_shared>> -> memref<1x512x32xf32, #tpu.memory_space<vmem_shared>>
    %dma_start3A_457 = tpu.memref_squeeze %dma_start3A_456 : memref<1x512x32xf32, #tpu.memory_space<vmem_shared>> -> memref<512x32xf32, #tpu.memory_space<vmem_shared>>
    %dma_start3A_458 = arith.constant 0 : i32
    %dma_start3A_459 = arith.constant 0 : i32
    %dma_start3A_460 = tpu.memref_slice %dma_start3A_457[%dma_start3A_458, %dma_start3A_459] : memref<512x32xf32, #tpu.memory_space<vmem_shared>> -> memref<512x32xf32, #tpu.memory_space<vmem_shared>>
    tpu.enqueue_indirect_dma source(%dma_start3A_460 : memref<512x32xf32, #tpu.memory_space<vmem_shared>>) target(%dma_start3A_450 : memref<128x32xf32, #tpu.memory_space<vmem>>) offsets(%dma_start3A_453 : memref<128xi32, #tpu.memory_space<vmem>>) semaphore(%arg8 : memref<!tpu.dma_semaphore, #tpu.memory_space<semaphore_mem>>)
    %dma_start3A_461 = arith.constant 19 : i32
    %dma_start3A_462 = arith.constant 0 : i32
    %dma_start3A_463 = arith.constant 384 : i32
    %dma_start3A_464 = arith.constant 0 : i32
    %dma_start3A_465 = tpu.memref_slice %arg6[%dma_start3A_462, %dma_start3A_463, %dma_start3A_464] : memref<2x1024x32xf32, #tpu.memory_space<vmem>> -> memref<1x128x32xf32, #tpu.memory_space<vmem>>
    %dma_start3A_466 = tpu.memref_squeeze %dma_start3A_465 : memref<1x128x32xf32, #tpu.memory_space<vmem>> -> memref<128x32xf32, #tpu.memory_space<vmem>>
    %dma_start3A_467 = arith.constant 0 : i32
    %dma_start3A_468 = tpu.memref_slice %arg5[%dma_start3A_461, %dma_start3A_467] : memref<32x128xi32, #tpu.memory_space<vmem>> -> memref<1x128xi32, #tpu.memory_space<vmem>>
    %dma_start3A_469 = tpu.memref_squeeze %dma_start3A_468 : memref<1x128xi32, #tpu.memory_space<vmem>> -> memref<128xi32, #tpu.memory_space<vmem>>
    %dma_start3A_470 = arith.constant 0 : i32
    %dma_start3A_471 = arith.constant 0 : i32
    %dma_start3A_472 = tpu.memref_slice %arg7[%arg1, %dma_start3A_470, %dma_start3A_471] : memref<16x512x32xf32, #tpu.memory_space<vmem_shared>> -> memref<1x512x32xf32, #tpu.memory_space<vmem_shared>>
    %dma_start3A_473 = tpu.memref_squeeze %dma_start3A_472 : memref<1x512x32xf32, #tpu.memory_space<vmem_shared>> -> memref<512x32xf32, #tpu.memory_space<vmem_shared>>
    %dma_start3A_474 = arith.constant 0 : i32
    %dma_start3A_475 = arith.constant 0 : i32
    %dma_start3A_476 = tpu.memref_slice %dma_start3A_473[%dma_start3A_474, %dma_start3A_475] : memref<512x32xf32, #tpu.memory_space<vmem_shared>> -> memref<512x32xf32, #tpu.memory_space<vmem_shared>>
    tpu.enqueue_indirect_dma source(%dma_start3A_476 : memref<512x32xf32, #tpu.memory_space<vmem_shared>>) target(%dma_start3A_466 : memref<128x32xf32, #tpu.memory_space<vmem>>) offsets(%dma_start3A_469 : memref<128xi32, #tpu.memory_space<vmem>>) semaphore(%arg8 : memref<!tpu.dma_semaphore, #tpu.memory_space<semaphore_mem>>)
    %dma_start3A_477 = arith.constant 20 : i32
    %dma_start3A_478 = arith.constant 0 : i32
    %dma_start3A_479 = arith.constant 512 : i32
    %dma_start3A_480 = arith.constant 0 : i32
    %dma_start3A_481 = tpu.memref_slice %arg6[%dma_start3A_478, %dma_start3A_479, %dma_start3A_480] : memref<2x1024x32xf32, #tpu.memory_space<vmem>> -> memref<1x128x32xf32, #tpu.memory_space<vmem>>
    %dma_start3A_482 = tpu.memref_squeeze %dma_start3A_481 : memref<1x128x32xf32, #tpu.memory_space<vmem>> -> memref<128x32xf32, #tpu.memory_space<vmem>>
    %dma_start3A_483 = arith.constant 0 : i32
    %dma_start3A_484 = tpu.memref_slice %arg5[%dma_start3A_477, %dma_start3A_483] : memref<32x128xi32, #tpu.memory_space<vmem>> -> memref<1x128xi32, #tpu.memory_space<vmem>>
    %dma_start3A_485 = tpu.memref_squeeze %dma_start3A_484 : memref<1x128xi32, #tpu.memory_space<vmem>> -> memref<128xi32, #tpu.memory_space<vmem>>
    %dma_start3A_486 = arith.constant 0 : i32
    %dma_start3A_487 = arith.constant 0 : i32
    %dma_start3A_488 = tpu.memref_slice %arg7[%arg1, %dma_start3A_486, %dma_start3A_487] : memref<16x512x32xf32, #tpu.memory_space<vmem_shared>> -> memref<1x512x32xf32, #tpu.memory_space<vmem_shared>>
    %dma_start3A_489 = tpu.memref_squeeze %dma_start3A_488 : memref<1x512x32xf32, #tpu.memory_space<vmem_shared>> -> memref<512x32xf32, #tpu.memory_space<vmem_shared>>
    %dma_start3A_490 = arith.constant 0 : i32
    %dma_start3A_491 = arith.constant 0 : i32
    %dma_start3A_492 = tpu.memref_slice %dma_start3A_489[%dma_start3A_490, %dma_start3A_491] : memref<512x32xf32, #tpu.memory_space<vmem_shared>> -> memref<512x32xf32, #tpu.memory_space<vmem_shared>>
    tpu.enqueue_indirect_dma source(%dma_start3A_492 : memref<512x32xf32, #tpu.memory_space<vmem_shared>>) target(%dma_start3A_482 : memref<128x32xf32, #tpu.memory_space<vmem>>) offsets(%dma_start3A_485 : memref<128xi32, #tpu.memory_space<vmem>>) semaphore(%arg8 : memref<!tpu.dma_semaphore, #tpu.memory_space<semaphore_mem>>)
    %dma_start3A_493 = arith.constant 21 : i32
    %dma_start3A_494 = arith.constant 0 : i32
    %dma_start3A_495 = arith.constant 640 : i32
    %dma_start3A_496 = arith.constant 0 : i32
    %dma_start3A_497 = tpu.memref_slice %arg6[%dma_start3A_494, %dma_start3A_495, %dma_start3A_496] : memref<2x1024x32xf32, #tpu.memory_space<vmem>> -> memref<1x128x32xf32, #tpu.memory_space<vmem>>
    %dma_start3A_498 = tpu.memref_squeeze %dma_start3A_497 : memref<1x128x32xf32, #tpu.memory_space<vmem>> -> memref<128x32xf32, #tpu.memory_space<vmem>>
    %dma_start3A_499 = arith.constant 0 : i32
    %dma_start3A_500 = tpu.memref_slice %arg5[%dma_start3A_493, %dma_start3A_499] : memref<32x128xi32, #tpu.memory_space<vmem>> -> memref<1x128xi32, #tpu.memory_space<vmem>>
    %dma_start3A_501 = tpu.memref_squeeze %dma_start3A_500 : memref<1x128xi32, #tpu.memory_space<vmem>> -> memref<128xi32, #tpu.memory_space<vmem>>
    %dma_start3A_502 = arith.constant 0 : i32
    %dma_start3A_503 = arith.constant 0 : i32
    %dma_start3A_504 = tpu.memref_slice %arg7[%arg1, %dma_start3A_502, %dma_start3A_503] : memref<16x512x32xf32, #tpu.memory_space<vmem_shared>> -> memref<1x512x32xf32, #tpu.memory_space<vmem_shared>>
    %dma_start3A_505 = tpu.memref_squeeze %dma_start3A_504 : memref<1x512x32xf32, #tpu.memory_space<vmem_shared>> -> memref<512x32xf32, #tpu.memory_space<vmem_shared>>
    %dma_start3A_506 = arith.constant 0 : i32
    %dma_start3A_507 = arith.constant 0 : i32
    %dma_start3A_508 = tpu.memref_slice %dma_start3A_505[%dma_start3A_506, %dma_start3A_507] : memref<512x32xf32, #tpu.memory_space<vmem_shared>> -> memref<512x32xf32, #tpu.memory_space<vmem_shared>>
    tpu.enqueue_indirect_dma source(%dma_start3A_508 : memref<512x32xf32, #tpu.memory_space<vmem_shared>>) target(%dma_start3A_498 : memref<128x32xf32, #tpu.memory_space<vmem>>) offsets(%dma_start3A_501 : memref<128xi32, #tpu.memory_space<vmem>>) semaphore(%arg8 : memref<!tpu.dma_semaphore, #tpu.memory_space<semaphore_mem>>)
    %dma_start3A_509 = arith.constant 22 : i32
    %dma_start3A_510 = arith.constant 0 : i32
    %dma_start3A_511 = arith.constant 768 : i32
    %dma_start3A_512 = arith.constant 0 : i32
    %dma_start3A_513 = tpu.memref_slice %arg6[%dma_start3A_510, %dma_start3A_511, %dma_start3A_512] : memref<2x1024x32xf32, #tpu.memory_space<vmem>> -> memref<1x128x32xf32, #tpu.memory_space<vmem>>
    %dma_start3A_514 = tpu.memref_squeeze %dma_start3A_513 : memref<1x128x32xf32, #tpu.memory_space<vmem>> -> memref<128x32xf32, #tpu.memory_space<vmem>>
    %dma_start3A_515 = arith.constant 0 : i32
    %dma_start3A_516 = tpu.memref_slice %arg5[%dma_start3A_509, %dma_start3A_515] : memref<32x128xi32, #tpu.memory_space<vmem>> -> memref<1x128xi32, #tpu.memory_space<vmem>>
    %dma_start3A_517 = tpu.memref_squeeze %dma_start3A_516 : memref<1x128xi32, #tpu.memory_space<vmem>> -> memref<128xi32, #tpu.memory_space<vmem>>
    %dma_start3A_518 = arith.constant 0 : i32
    %dma_start3A_519 = arith.constant 0 : i32
    %dma_start3A_520 = tpu.memref_slice %arg7[%arg1, %dma_start3A_518, %dma_start3A_519] : memref<16x512x32xf32, #tpu.memory_space<vmem_shared>> -> memref<1x512x32xf32, #tpu.memory_space<vmem_shared>>
    %dma_start3A_521 = tpu.memref_squeeze %dma_start3A_520 : memref<1x512x32xf32, #tpu.memory_space<vmem_shared>> -> memref<512x32xf32, #tpu.memory_space<vmem_shared>>
    %dma_start3A_522 = arith.constant 0 : i32
    %dma_start3A_523 = arith.constant 0 : i32
    %dma_start3A_524 = tpu.memref_slice %dma_start3A_521[%dma_start3A_522, %dma_start3A_523] : memref<512x32xf32, #tpu.memory_space<vmem_shared>> -> memref<512x32xf32, #tpu.memory_space<vmem_shared>>
    tpu.enqueue_indirect_dma source(%dma_start3A_524 : memref<512x32xf32, #tpu.memory_space<vmem_shared>>) target(%dma_start3A_514 : memref<128x32xf32, #tpu.memory_space<vmem>>) offsets(%dma_start3A_517 : memref<128xi32, #tpu.memory_space<vmem>>) semaphore(%arg8 : memref<!tpu.dma_semaphore, #tpu.memory_space<semaphore_mem>>)
    %dma_start3A_525 = arith.constant 23 : i32
    %dma_start3A_526 = arith.constant 0 : i32
    %dma_start3A_527 = arith.constant 896 : i32
    %dma_start3A_528 = arith.constant 0 : i32
    %dma_start3A_529 = tpu.memref_slice %arg6[%dma_start3A_526, %dma_start3A_527, %dma_start3A_528] : memref<2x1024x32xf32, #tpu.memory_space<vmem>> -> memref<1x128x32xf32, #tpu.memory_space<vmem>>
    %dma_start3A_530 = tpu.memref_squeeze %dma_start3A_529 : memref<1x128x32xf32, #tpu.memory_space<vmem>> -> memref<128x32xf32, #tpu.memory_space<vmem>>
    %dma_start3A_531 = arith.constant 0 : i32
    %dma_start3A_532 = tpu.memref_slice %arg5[%dma_start3A_525, %dma_start3A_531] : memref<32x128xi32, #tpu.memory_space<vmem>> -> memref<1x128xi32, #tpu.memory_space<vmem>>
    %dma_start3A_533 = tpu.memref_squeeze %dma_start3A_532 : memref<1x128xi32, #tpu.memory_space<vmem>> -> memref<128xi32, #tpu.memory_space<vmem>>
    %dma_start3A_534 = arith.constant 0 : i32
    %dma_start3A_535 = arith.constant 0 : i32
    %dma_start3A_536 = tpu.memref_slice %arg7[%arg1, %dma_start3A_534, %dma_start3A_535] : memref<16x512x32xf32, #tpu.memory_space<vmem_shared>> -> memref<1x512x32xf32, #tpu.memory_space<vmem_shared>>
    %dma_start3A_537 = tpu.memref_squeeze %dma_start3A_536 : memref<1x512x32xf32, #tpu.memory_space<vmem_shared>> -> memref<512x32xf32, #tpu.memory_space<vmem_shared>>
    %dma_start3A_538 = arith.constant 0 : i32
    %dma_start3A_539 = arith.constant 0 : i32
    %dma_start3A_540 = tpu.memref_slice %dma_start3A_537[%dma_start3A_538, %dma_start3A_539] : memref<512x32xf32, #tpu.memory_space<vmem_shared>> -> memref<512x32xf32, #tpu.memory_space<vmem_shared>>
    tpu.enqueue_indirect_dma source(%dma_start3A_540 : memref<512x32xf32, #tpu.memory_space<vmem_shared>>) target(%dma_start3A_530 : memref<128x32xf32, #tpu.memory_space<vmem>>) offsets(%dma_start3A_533 : memref<128xi32, #tpu.memory_space<vmem>>) semaphore(%arg8 : memref<!tpu.dma_semaphore, #tpu.memory_space<semaphore_mem>>)
    %dma_wait3A_541 = arith.constant 8 : i32
    %dma_wait3A_542 = arith.constant 1 : i32
    %dma_wait3A_543 = arith.constant 0 : i32
    %dma_wait3A_544 = arith.constant 0 : i32
    %dma_wait3A_545 = tpu.memref_slice %arg6[%dma_wait3A_542, %dma_wait3A_543, %dma_wait3A_544] : memref<2x1024x32xf32, #tpu.memory_space<vmem>> -> memref<1x128x32xf32, #tpu.memory_space<vmem>>
    %dma_wait3A_546 = tpu.memref_squeeze %dma_wait3A_545 : memref<1x128x32xf32, #tpu.memory_space<vmem>> -> memref<128x32xf32, #tpu.memory_space<vmem>>
    %dma_wait3A_547 = arith.constant 0 : i32
    %dma_wait3A_548 = tpu.memref_slice %arg5[%dma_wait3A_541, %dma_wait3A_547] : memref<32x128xi32, #tpu.memory_space<vmem>> -> memref<1x128xi32, #tpu.memory_space<vmem>>
    %dma_wait3A_549 = tpu.memref_squeeze %dma_wait3A_548 : memref<1x128xi32, #tpu.memory_space<vmem>> -> memref<128xi32, #tpu.memory_space<vmem>>
    %dma_wait3A_550 = arith.constant 0 : i32
    %dma_wait3A_551 = arith.constant 0 : i32
    %dma_wait3A_552 = tpu.memref_slice %arg7[%arg1, %dma_wait3A_550, %dma_wait3A_551] : memref<16x512x32xf32, #tpu.memory_space<vmem_shared>> -> memref<1x512x32xf32, #tpu.memory_space<vmem_shared>>
    %dma_wait3A_553 = tpu.memref_squeeze %dma_wait3A_552 : memref<1x512x32xf32, #tpu.memory_space<vmem_shared>> -> memref<512x32xf32, #tpu.memory_space<vmem_shared>>
    %dma_wait3A_554 = arith.constant 0 : i32
    %dma_wait3A_555 = arith.constant 0 : i32
    %dma_wait3A_556 = tpu.memref_slice %dma_wait3A_553[%dma_wait3A_554, %dma_wait3A_555] : memref<512x32xf32, #tpu.memory_space<vmem_shared>> -> memref<512x32xf32, #tpu.memory_space<vmem_shared>>
    tpu.wait_indirect_dma semaphore(%arg8 : memref<!tpu.dma_semaphore, #tpu.memory_space<semaphore_mem>>) src(%dma_wait3A_556 : memref<512x32xf32, #tpu.memory_space<vmem_shared>>) dst(%dma_wait3A_546 : memref<128x32xf32, #tpu.memory_space<vmem>>)
    %dma_wait3A_557 = arith.constant 9 : i32
    %dma_wait3A_558 = arith.constant 1 : i32
    %dma_wait3A_559 = arith.constant 128 : i32
    %dma_wait3A_560 = arith.constant 0 : i32
    %dma_wait3A_561 = tpu.memref_slice %arg6[%dma_wait3A_558, %dma_wait3A_559, %dma_wait3A_560] : memref<2x1024x32xf32, #tpu.memory_space<vmem>> -> memref<1x128x32xf32, #tpu.memory_space<vmem>>
    %dma_wait3A_562 = tpu.memref_squeeze %dma_wait3A_561 : memref<1x128x32xf32, #tpu.memory_space<vmem>> -> memref<128x32xf32, #tpu.memory_space<vmem>>
    %dma_wait3A_563 = arith.constant 0 : i32
    %dma_wait3A_564 = tpu.memref_slice %arg5[%dma_wait3A_557, %dma_wait3A_563] : memref<32x128xi32, #tpu.memory_space<vmem>> -> memref<1x128xi32, #tpu.memory_space<vmem>>
    %dma_wait3A_565 = tpu.memref_squeeze %dma_wait3A_564 : memref<1x128xi32, #tpu.memory_space<vmem>> -> memref<128xi32, #tpu.memory_space<vmem>>
    %dma_wait3A_566 = arith.constant 0 : i32
    %dma_wait3A_567 = arith.constant 0 : i32
    %dma_wait3A_568 = tpu.memref_slice %arg7[%arg1, %dma_wait3A_566, %dma_wait3A_567] : memref<16x512x32xf32, #tpu.memory_space<vmem_shared>> -> memref<1x512x32xf32, #tpu.memory_space<vmem_shared>>
    %dma_wait3A_569 = tpu.memref_squeeze %dma_wait3A_568 : memref<1x512x32xf32, #tpu.memory_space<vmem_shared>> -> memref<512x32xf32, #tpu.memory_space<vmem_shared>>
    %dma_wait3A_570 = arith.constant 0 : i32
    %dma_wait3A_571 = arith.constant 0 : i32
    %dma_wait3A_572 = tpu.memref_slice %dma_wait3A_569[%dma_wait3A_570, %dma_wait3A_571] : memref<512x32xf32, #tpu.memory_space<vmem_shared>> -> memref<512x32xf32, #tpu.memory_space<vmem_shared>>
    tpu.wait_indirect_dma semaphore(%arg8 : memref<!tpu.dma_semaphore, #tpu.memory_space<semaphore_mem>>) src(%dma_wait3A_572 : memref<512x32xf32, #tpu.memory_space<vmem_shared>>) dst(%dma_wait3A_562 : memref<128x32xf32, #tpu.memory_space<vmem>>)
    %dma_wait3A_573 = arith.constant 10 : i32
    %dma_wait3A_574 = arith.constant 1 : i32
    %dma_wait3A_575 = arith.constant 256 : i32
    %dma_wait3A_576 = arith.constant 0 : i32
    %dma_wait3A_577 = tpu.memref_slice %arg6[%dma_wait3A_574, %dma_wait3A_575, %dma_wait3A_576] : memref<2x1024x32xf32, #tpu.memory_space<vmem>> -> memref<1x128x32xf32, #tpu.memory_space<vmem>>
    %dma_wait3A_578 = tpu.memref_squeeze %dma_wait3A_577 : memref<1x128x32xf32, #tpu.memory_space<vmem>> -> memref<128x32xf32, #tpu.memory_space<vmem>>
    %dma_wait3A_579 = arith.constant 0 : i32
    %dma_wait3A_580 = tpu.memref_slice %arg5[%dma_wait3A_573, %dma_wait3A_579] : memref<32x128xi32, #tpu.memory_space<vmem>> -> memref<1x128xi32, #tpu.memory_space<vmem>>
    %dma_wait3A_581 = tpu.memref_squeeze %dma_wait3A_580 : memref<1x128xi32, #tpu.memory_space<vmem>> -> memref<128xi32, #tpu.memory_space<vmem>>
    %dma_wait3A_582 = arith.constant 0 : i32
    %dma_wait3A_583 = arith.constant 0 : i32
    %dma_wait3A_584 = tpu.memref_slice %arg7[%arg1, %dma_wait3A_582, %dma_wait3A_583] : memref<16x512x32xf32, #tpu.memory_space<vmem_shared>> -> memref<1x512x32xf32, #tpu.memory_space<vmem_shared>>
    %dma_wait3A_585 = tpu.memref_squeeze %dma_wait3A_584 : memref<1x512x32xf32, #tpu.memory_space<vmem_shared>> -> memref<512x32xf32, #tpu.memory_space<vmem_shared>>
    %dma_wait3A_586 = arith.constant 0 : i32
    %dma_wait3A_587 = arith.constant 0 : i32
    %dma_wait3A_588 = tpu.memref_slice %dma_wait3A_585[%dma_wait3A_586, %dma_wait3A_587] : memref<512x32xf32, #tpu.memory_space<vmem_shared>> -> memref<512x32xf32, #tpu.memory_space<vmem_shared>>
    tpu.wait_indirect_dma semaphore(%arg8 : memref<!tpu.dma_semaphore, #tpu.memory_space<semaphore_mem>>) src(%dma_wait3A_588 : memref<512x32xf32, #tpu.memory_space<vmem_shared>>) dst(%dma_wait3A_578 : memref<128x32xf32, #tpu.memory_space<vmem>>)
    %dma_wait3A_589 = arith.constant 11 : i32
    %dma_wait3A_590 = arith.constant 1 : i32
    %dma_wait3A_591 = arith.constant 384 : i32
    %dma_wait3A_592 = arith.constant 0 : i32
    %dma_wait3A_593 = tpu.memref_slice %arg6[%dma_wait3A_590, %dma_wait3A_591, %dma_wait3A_592] : memref<2x1024x32xf32, #tpu.memory_space<vmem>> -> memref<1x128x32xf32, #tpu.memory_space<vmem>>
    %dma_wait3A_594 = tpu.memref_squeeze %dma_wait3A_593 : memref<1x128x32xf32, #tpu.memory_space<vmem>> -> memref<128x32xf32, #tpu.memory_space<vmem>>
    %dma_wait3A_595 = arith.constant 0 : i32
    %dma_wait3A_596 = tpu.memref_slice %arg5[%dma_wait3A_589, %dma_wait3A_595] : memref<32x128xi32, #tpu.memory_space<vmem>> -> memref<1x128xi32, #tpu.memory_space<vmem>>
    %dma_wait3A_597 = tpu.memref_squeeze %dma_wait3A_596 : memref<1x128xi32, #tpu.memory_space<vmem>> -> memref<128xi32, #tpu.memory_space<vmem>>
    %dma_wait3A_598 = arith.constant 0 : i32
    %dma_wait3A_599 = arith.constant 0 : i32
    %dma_wait3A_600 = tpu.memref_slice %arg7[%arg1, %dma_wait3A_598, %dma_wait3A_599] : memref<16x512x32xf32, #tpu.memory_space<vmem_shared>> -> memref<1x512x32xf32, #tpu.memory_space<vmem_shared>>
    %dma_wait3A_601 = tpu.memref_squeeze %dma_wait3A_600 : memref<1x512x32xf32, #tpu.memory_space<vmem_shared>> -> memref<512x32xf32, #tpu.memory_space<vmem_shared>>
    %dma_wait3A_602 = arith.constant 0 : i32
    %dma_wait3A_603 = arith.constant 0 : i32
    %dma_wait3A_604 = tpu.memref_slice %dma_wait3A_601[%dma_wait3A_602, %dma_wait3A_603] : memref<512x32xf32, #tpu.memory_space<vmem_shared>> -> memref<512x32xf32, #tpu.memory_space<vmem_shared>>
    tpu.wait_indirect_dma semaphore(%arg8 : memref<!tpu.dma_semaphore, #tpu.memory_space<semaphore_mem>>) src(%dma_wait3A_604 : memref<512x32xf32, #tpu.memory_space<vmem_shared>>) dst(%dma_wait3A_594 : memref<128x32xf32, #tpu.memory_space<vmem>>)
    %dma_wait3A_605 = arith.constant 12 : i32
    %dma_wait3A_606 = arith.constant 1 : i32
    %dma_wait3A_607 = arith.constant 512 : i32
    %dma_wait3A_608 = arith.constant 0 : i32
    %dma_wait3A_609 = tpu.memref_slice %arg6[%dma_wait3A_606, %dma_wait3A_607, %dma_wait3A_608] : memref<2x1024x32xf32, #tpu.memory_space<vmem>> -> memref<1x128x32xf32, #tpu.memory_space<vmem>>
    %dma_wait3A_610 = tpu.memref_squeeze %dma_wait3A_609 : memref<1x128x32xf32, #tpu.memory_space<vmem>> -> memref<128x32xf32, #tpu.memory_space<vmem>>
    %dma_wait3A_611 = arith.constant 0 : i32
    %dma_wait3A_612 = tpu.memref_slice %arg5[%dma_wait3A_605, %dma_wait3A_611] : memref<32x128xi32, #tpu.memory_space<vmem>> -> memref<1x128xi32, #tpu.memory_space<vmem>>
    %dma_wait3A_613 = tpu.memref_squeeze %dma_wait3A_612 : memref<1x128xi32, #tpu.memory_space<vmem>> -> memref<128xi32, #tpu.memory_space<vmem>>
    %dma_wait3A_614 = arith.constant 0 : i32
    %dma_wait3A_615 = arith.constant 0 : i32
    %dma_wait3A_616 = tpu.memref_slice %arg7[%arg1, %dma_wait3A_614, %dma_wait3A_615] : memref<16x512x32xf32, #tpu.memory_space<vmem_shared>> -> memref<1x512x32xf32, #tpu.memory_space<vmem_shared>>
    %dma_wait3A_617 = tpu.memref_squeeze %dma_wait3A_616 : memref<1x512x32xf32, #tpu.memory_space<vmem_shared>> -> memref<512x32xf32, #tpu.memory_space<vmem_shared>>
    %dma_wait3A_618 = arith.constant 0 : i32
    %dma_wait3A_619 = arith.constant 0 : i32
    %dma_wait3A_620 = tpu.memref_slice %dma_wait3A_617[%dma_wait3A_618, %dma_wait3A_619] : memref<512x32xf32, #tpu.memory_space<vmem_shared>> -> memref<512x32xf32, #tpu.memory_space<vmem_shared>>
    tpu.wait_indirect_dma semaphore(%arg8 : memref<!tpu.dma_semaphore, #tpu.memory_space<semaphore_mem>>) src(%dma_wait3A_620 : memref<512x32xf32, #tpu.memory_space<vmem_shared>>) dst(%dma_wait3A_610 : memref<128x32xf32, #tpu.memory_space<vmem>>)
    %dma_wait3A_621 = arith.constant 13 : i32
    %dma_wait3A_622 = arith.constant 1 : i32
    %dma_wait3A_623 = arith.constant 640 : i32
    %dma_wait3A_624 = arith.constant 0 : i32
    %dma_wait3A_625 = tpu.memref_slice %arg6[%dma_wait3A_622, %dma_wait3A_623, %dma_wait3A_624] : memref<2x1024x32xf32, #tpu.memory_space<vmem>> -> memref<1x128x32xf32, #tpu.memory_space<vmem>>
    %dma_wait3A_626 = tpu.memref_squeeze %dma_wait3A_625 : memref<1x128x32xf32, #tpu.memory_space<vmem>> -> memref<128x32xf32, #tpu.memory_space<vmem>>
    %dma_wait3A_627 = arith.constant 0 : i32
    %dma_wait3A_628 = tpu.memref_slice %arg5[%dma_wait3A_621, %dma_wait3A_627] : memref<32x128xi32, #tpu.memory_space<vmem>> -> memref<1x128xi32, #tpu.memory_space<vmem>>
    %dma_wait3A_629 = tpu.memref_squeeze %dma_wait3A_628 : memref<1x128xi32, #tpu.memory_space<vmem>> -> memref<128xi32, #tpu.memory_space<vmem>>
    %dma_wait3A_630 = arith.constant 0 : i32
    %dma_wait3A_631 = arith.constant 0 : i32
    %dma_wait3A_632 = tpu.memref_slice %arg7[%arg1, %dma_wait3A_630, %dma_wait3A_631] : memref<16x512x32xf32, #tpu.memory_space<vmem_shared>> -> memref<1x512x32xf32, #tpu.memory_space<vmem_shared>>
    %dma_wait3A_633 = tpu.memref_squeeze %dma_wait3A_632 : memref<1x512x32xf32, #tpu.memory_space<vmem_shared>> -> memref<512x32xf32, #tpu.memory_space<vmem_shared>>
    %dma_wait3A_634 = arith.constant 0 : i32
    %dma_wait3A_635 = arith.constant 0 : i32
    %dma_wait3A_636 = tpu.memref_slice %dma_wait3A_633[%dma_wait3A_634, %dma_wait3A_635] : memref<512x32xf32, #tpu.memory_space<vmem_shared>> -> memref<512x32xf32, #tpu.memory_space<vmem_shared>>
    tpu.wait_indirect_dma semaphore(%arg8 : memref<!tpu.dma_semaphore, #tpu.memory_space<semaphore_mem>>) src(%dma_wait3A_636 : memref<512x32xf32, #tpu.memory_space<vmem_shared>>) dst(%dma_wait3A_626 : memref<128x32xf32, #tpu.memory_space<vmem>>)
    %dma_wait3A_637 = arith.constant 14 : i32
    %dma_wait3A_638 = arith.constant 1 : i32
    %dma_wait3A_639 = arith.constant 768 : i32
    %dma_wait3A_640 = arith.constant 0 : i32
    %dma_wait3A_641 = tpu.memref_slice %arg6[%dma_wait3A_638, %dma_wait3A_639, %dma_wait3A_640] : memref<2x1024x32xf32, #tpu.memory_space<vmem>> -> memref<1x128x32xf32, #tpu.memory_space<vmem>>
    %dma_wait3A_642 = tpu.memref_squeeze %dma_wait3A_641 : memref<1x128x32xf32, #tpu.memory_space<vmem>> -> memref<128x32xf32, #tpu.memory_space<vmem>>
    %dma_wait3A_643 = arith.constant 0 : i32
    %dma_wait3A_644 = tpu.memref_slice %arg5[%dma_wait3A_637, %dma_wait3A_643] : memref<32x128xi32, #tpu.memory_space<vmem>> -> memref<1x128xi32, #tpu.memory_space<vmem>>
    %dma_wait3A_645 = tpu.memref_squeeze %dma_wait3A_644 : memref<1x128xi32, #tpu.memory_space<vmem>> -> memref<128xi32, #tpu.memory_space<vmem>>
    %dma_wait3A_646 = arith.constant 0 : i32
    %dma_wait3A_647 = arith.constant 0 : i32
    %dma_wait3A_648 = tpu.memref_slice %arg7[%arg1, %dma_wait3A_646, %dma_wait3A_647] : memref<16x512x32xf32, #tpu.memory_space<vmem_shared>> -> memref<1x512x32xf32, #tpu.memory_space<vmem_shared>>
    %dma_wait3A_649 = tpu.memref_squeeze %dma_wait3A_648 : memref<1x512x32xf32, #tpu.memory_space<vmem_shared>> -> memref<512x32xf32, #tpu.memory_space<vmem_shared>>
    %dma_wait3A_650 = arith.constant 0 : i32
    %dma_wait3A_651 = arith.constant 0 : i32
    %dma_wait3A_652 = tpu.memref_slice %dma_wait3A_649[%dma_wait3A_650, %dma_wait3A_651] : memref<512x32xf32, #tpu.memory_space<vmem_shared>> -> memref<512x32xf32, #tpu.memory_space<vmem_shared>>
    tpu.wait_indirect_dma semaphore(%arg8 : memref<!tpu.dma_semaphore, #tpu.memory_space<semaphore_mem>>) src(%dma_wait3A_652 : memref<512x32xf32, #tpu.memory_space<vmem_shared>>) dst(%dma_wait3A_642 : memref<128x32xf32, #tpu.memory_space<vmem>>)
    %dma_wait3A_653 = arith.constant 15 : i32
    %dma_wait3A_654 = arith.constant 1 : i32
    %dma_wait3A_655 = arith.constant 896 : i32
    %dma_wait3A_656 = arith.constant 0 : i32
    %dma_wait3A_657 = tpu.memref_slice %arg6[%dma_wait3A_654, %dma_wait3A_655, %dma_wait3A_656] : memref<2x1024x32xf32, #tpu.memory_space<vmem>> -> memref<1x128x32xf32, #tpu.memory_space<vmem>>
    %dma_wait3A_658 = tpu.memref_squeeze %dma_wait3A_657 : memref<1x128x32xf32, #tpu.memory_space<vmem>> -> memref<128x32xf32, #tpu.memory_space<vmem>>
    %dma_wait3A_659 = arith.constant 0 : i32
    %dma_wait3A_660 = tpu.memref_slice %arg5[%dma_wait3A_653, %dma_wait3A_659] : memref<32x128xi32, #tpu.memory_space<vmem>> -> memref<1x128xi32, #tpu.memory_space<vmem>>
    %dma_wait3A_661 = tpu.memref_squeeze %dma_wait3A_660 : memref<1x128xi32, #tpu.memory_space<vmem>> -> memref<128xi32, #tpu.memory_space<vmem>>
    %dma_wait3A_662 = arith.constant 0 : i32
    %dma_wait3A_663 = arith.constant 0 : i32
    %dma_wait3A_664 = tpu.memref_slice %arg7[%arg1, %dma_wait3A_662, %dma_wait3A_663] : memref<16x512x32xf32, #tpu.memory_space<vmem_shared>> -> memref<1x512x32xf32, #tpu.memory_space<vmem_shared>>
    %dma_wait3A_665 = tpu.memref_squeeze %dma_wait3A_664 : memref<1x512x32xf32, #tpu.memory_space<vmem_shared>> -> memref<512x32xf32, #tpu.memory_space<vmem_shared>>
    %dma_wait3A_666 = arith.constant 0 : i32
    %dma_wait3A_667 = arith.constant 0 : i32
    %dma_wait3A_668 = tpu.memref_slice %dma_wait3A_665[%dma_wait3A_666, %dma_wait3A_667] : memref<512x32xf32, #tpu.memory_space<vmem_shared>> -> memref<512x32xf32, #tpu.memory_space<vmem_shared>>
    tpu.wait_indirect_dma semaphore(%arg8 : memref<!tpu.dma_semaphore, #tpu.memory_space<semaphore_mem>>) src(%dma_wait3A_668 : memref<512x32xf32, #tpu.memory_space<vmem_shared>>) dst(%dma_wait3A_658 : memref<128x32xf32, #tpu.memory_space<vmem>>)
    %add3A_669 = arith.constant 1024 : i32
    %add3A_670 = arith.addi %mul3A_2, %add3A_669 : i32
    %dma_start3A_671 = arith.constant 1 : i32
    %dma_start3A_672 = arith.constant 0 : i32
    %dma_start3A_673 = arith.constant 0 : i32
    %dma_start3A_674 = tpu.memref_slice %arg6[%dma_start3A_671, %dma_start3A_672, %dma_start3A_673] : memref<2x1024x32xf32, #tpu.memory_space<vmem>> -> memref<1x1024x32xf32, #tpu.memory_space<vmem>>
    %dma_start3A_675 = tpu.memref_squeeze %dma_start3A_674 : memref<1x1024x32xf32, #tpu.memory_space<vmem>> -> memref<1024x32xf32, #tpu.memory_space<vmem>>
    %dma_start3A_676 = arith.constant 0 : i32
    %dma_start3A_677 = tpu.memref_slice %arg4[%add3A_670, %dma_start3A_676] : memref<131072x32xf32, #tpu.memory_space<hbm>> -> memref<1024x32xf32, #tpu.memory_space<hbm>>
    %dma_start3A_678 = arith.constant 0 : i32
    %dma_start3A_679 = tpu.memref_slice %arg4[%add3A_670, %dma_start3A_678] : memref<131072x32xf32, #tpu.memory_space<hbm>> -> memref<1024x32xf32, #tpu.memory_space<hbm>>
    %dma_start3A_680 = arith.constant 0 : i32
    %dma_start3A_681 = arith.constant 0 : i32
    %dma_start3A_682 = tpu.memref_slice %arg6[%dma_start3A_671, %dma_start3A_680, %dma_start3A_681] : memref<2x1024x32xf32, #tpu.memory_space<vmem>> -> memref<1x1024x32xf32, #tpu.memory_space<vmem>>
    %dma_start3A_683 = tpu.memref_squeeze %dma_start3A_682 : memref<1x1024x32xf32, #tpu.memory_space<vmem>> -> memref<1024x32xf32, #tpu.memory_space<vmem>>
    tpu.enqueue_dma source(%dma_start3A_683 : memref<1024x32xf32, #tpu.memory_space<vmem>>) target(%dma_start3A_679 : memref<1024x32xf32, #tpu.memory_space<hbm>>) target_semaphore(%arg9 : memref<!tpu.dma_semaphore, #tpu.memory_space<semaphore_mem>>)
    %dma_wait3A_684 = arith.constant 1 : i32
    %dma_wait3A_685 = arith.constant 0 : i32
    %dma_wait3A_686 = arith.constant 0 : i32
    %dma_wait3A_687 = tpu.memref_slice %arg6[%dma_wait3A_684, %dma_wait3A_685, %dma_wait3A_686] : memref<2x1024x32xf32, #tpu.memory_space<vmem>> -> memref<1x1024x32xf32, #tpu.memory_space<vmem>>
    %dma_wait3A_688 = tpu.memref_squeeze %dma_wait3A_687 : memref<1x1024x32xf32, #tpu.memory_space<vmem>> -> memref<1024x32xf32, #tpu.memory_space<vmem>>
    %dma_wait3A_689 = arith.constant 0 : i32
    %dma_wait3A_690 = tpu.memref_slice %arg4[%add3A_670, %dma_wait3A_689] : memref<131072x32xf32, #tpu.memory_space<hbm>> -> memref<1024x32xf32, #tpu.memory_space<hbm>>
    %dma_wait3A_691 = arith.constant 0 : i32
    %dma_wait3A_692 = tpu.memref_slice %arg4[%add3A_670, %dma_wait3A_691] : memref<131072x32xf32, #tpu.memory_space<hbm>> -> memref<1024x32xf32, #tpu.memory_space<hbm>>
    %dma_wait3A_693 = arith.constant 0 : i32
    %dma_wait3A_694 = arith.constant 0 : i32
    %dma_wait3A_695 = tpu.memref_slice %arg6[%dma_wait3A_684, %dma_wait3A_693, %dma_wait3A_694] : memref<2x1024x32xf32, #tpu.memory_space<vmem>> -> memref<1x1024x32xf32, #tpu.memory_space<vmem>>
    %dma_wait3A_696 = tpu.memref_squeeze %dma_wait3A_695 : memref<1x1024x32xf32, #tpu.memory_space<vmem>> -> memref<1024x32xf32, #tpu.memory_space<vmem>>
    tpu.wait_dma2 semaphore(%arg9 : memref<!tpu.dma_semaphore, #tpu.memory_space<semaphore_mem>>) src(%dma_wait3A_696 : memref<1024x32xf32, #tpu.memory_space<vmem>>) dst(%dma_wait3A_692 : memref<1024x32xf32, #tpu.memory_space<hbm>>)
    %dma_start3A_697 = arith.constant 24 : i32
    %dma_start3A_698 = arith.constant 1 : i32
    %dma_start3A_699 = arith.constant 0 : i32
    %dma_start3A_700 = arith.constant 0 : i32
    %dma_start3A_701 = tpu.memref_slice %arg6[%dma_start3A_698, %dma_start3A_699, %dma_start3A_700] : memref<2x1024x32xf32, #tpu.memory_space<vmem>> -> memref<1x128x32xf32, #tpu.memory_space<vmem>>
    %dma_start3A_702 = tpu.memref_squeeze %dma_start3A_701 : memref<1x128x32xf32, #tpu.memory_space<vmem>> -> memref<128x32xf32, #tpu.memory_space<vmem>>
    %dma_start3A_703 = arith.constant 0 : i32
    %dma_start3A_704 = tpu.memref_slice %arg5[%dma_start3A_697, %dma_start3A_703] : memref<32x128xi32, #tpu.memory_space<vmem>> -> memref<1x128xi32, #tpu.memory_space<vmem>>
    %dma_start3A_705 = tpu.memref_squeeze %dma_start3A_704 : memref<1x128xi32, #tpu.memory_space<vmem>> -> memref<128xi32, #tpu.memory_space<vmem>>
    %dma_start3A_706 = arith.constant 0 : i32
    %dma_start3A_707 = arith.constant 0 : i32
    %dma_start3A_708 = tpu.memref_slice %arg7[%arg1, %dma_start3A_706, %dma_start3A_707] : memref<16x512x32xf32, #tpu.memory_space<vmem_shared>> -> memref<1x512x32xf32, #tpu.memory_space<vmem_shared>>
    %dma_start3A_709 = tpu.memref_squeeze %dma_start3A_708 : memref<1x512x32xf32, #tpu.memory_space<vmem_shared>> -> memref<512x32xf32, #tpu.memory_space<vmem_shared>>
    %dma_start3A_710 = arith.constant 0 : i32
    %dma_start3A_711 = arith.constant 0 : i32
    %dma_start3A_712 = tpu.memref_slice %dma_start3A_709[%dma_start3A_710, %dma_start3A_711] : memref<512x32xf32, #tpu.memory_space<vmem_shared>> -> memref<512x32xf32, #tpu.memory_space<vmem_shared>>
    tpu.enqueue_indirect_dma source(%dma_start3A_712 : memref<512x32xf32, #tpu.memory_space<vmem_shared>>) target(%dma_start3A_702 : memref<128x32xf32, #tpu.memory_space<vmem>>) offsets(%dma_start3A_705 : memref<128xi32, #tpu.memory_space<vmem>>) semaphore(%arg8 : memref<!tpu.dma_semaphore, #tpu.memory_space<semaphore_mem>>)
    %dma_start3A_713 = arith.constant 25 : i32
    %dma_start3A_714 = arith.constant 1 : i32
    %dma_start3A_715 = arith.constant 128 : i32
    %dma_start3A_716 = arith.constant 0 : i32
    %dma_start3A_717 = tpu.memref_slice %arg6[%dma_start3A_714, %dma_start3A_715, %dma_start3A_716] : memref<2x1024x32xf32, #tpu.memory_space<vmem>> -> memref<1x128x32xf32, #tpu.memory_space<vmem>>
    %dma_start3A_718 = tpu.memref_squeeze %dma_start3A_717 : memref<1x128x32xf32, #tpu.memory_space<vmem>> -> memref<128x32xf32, #tpu.memory_space<vmem>>
    %dma_start3A_719 = arith.constant 0 : i32
    %dma_start3A_720 = tpu.memref_slice %arg5[%dma_start3A_713, %dma_start3A_719] : memref<32x128xi32, #tpu.memory_space<vmem>> -> memref<1x128xi32, #tpu.memory_space<vmem>>
    %dma_start3A_721 = tpu.memref_squeeze %dma_start3A_720 : memref<1x128xi32, #tpu.memory_space<vmem>> -> memref<128xi32, #tpu.memory_space<vmem>>
    %dma_start3A_722 = arith.constant 0 : i32
    %dma_start3A_723 = arith.constant 0 : i32
    %dma_start3A_724 = tpu.memref_slice %arg7[%arg1, %dma_start3A_722, %dma_start3A_723] : memref<16x512x32xf32, #tpu.memory_space<vmem_shared>> -> memref<1x512x32xf32, #tpu.memory_space<vmem_shared>>
    %dma_start3A_725 = tpu.memref_squeeze %dma_start3A_724 : memref<1x512x32xf32, #tpu.memory_space<vmem_shared>> -> memref<512x32xf32, #tpu.memory_space<vmem_shared>>
    %dma_start3A_726 = arith.constant 0 : i32
    %dma_start3A_727 = arith.constant 0 : i32
    %dma_start3A_728 = tpu.memref_slice %dma_start3A_725[%dma_start3A_726, %dma_start3A_727] : memref<512x32xf32, #tpu.memory_space<vmem_shared>> -> memref<512x32xf32, #tpu.memory_space<vmem_shared>>
    tpu.enqueue_indirect_dma source(%dma_start3A_728 : memref<512x32xf32, #tpu.memory_space<vmem_shared>>) target(%dma_start3A_718 : memref<128x32xf32, #tpu.memory_space<vmem>>) offsets(%dma_start3A_721 : memref<128xi32, #tpu.memory_space<vmem>>) semaphore(%arg8 : memref<!tpu.dma_semaphore, #tpu.memory_space<semaphore_mem>>)
    %dma_start3A_729 = arith.constant 26 : i32
    %dma_start3A_730 = arith.constant 1 : i32
    %dma_start3A_731 = arith.constant 256 : i32
    %dma_start3A_732 = arith.constant 0 : i32
    %dma_start3A_733 = tpu.memref_slice %arg6[%dma_start3A_730, %dma_start3A_731, %dma_start3A_732] : memref<2x1024x32xf32, #tpu.memory_space<vmem>> -> memref<1x128x32xf32, #tpu.memory_space<vmem>>
    %dma_start3A_734 = tpu.memref_squeeze %dma_start3A_733 : memref<1x128x32xf32, #tpu.memory_space<vmem>> -> memref<128x32xf32, #tpu.memory_space<vmem>>
    %dma_start3A_735 = arith.constant 0 : i32
    %dma_start3A_736 = tpu.memref_slice %arg5[%dma_start3A_729, %dma_start3A_735] : memref<32x128xi32, #tpu.memory_space<vmem>> -> memref<1x128xi32, #tpu.memory_space<vmem>>
    %dma_start3A_737 = tpu.memref_squeeze %dma_start3A_736 : memref<1x128xi32, #tpu.memory_space<vmem>> -> memref<128xi32, #tpu.memory_space<vmem>>
    %dma_start3A_738 = arith.constant 0 : i32
    %dma_start3A_739 = arith.constant 0 : i32
    %dma_start3A_740 = tpu.memref_slice %arg7[%arg1, %dma_start3A_738, %dma_start3A_739] : memref<16x512x32xf32, #tpu.memory_space<vmem_shared>> -> memref<1x512x32xf32, #tpu.memory_space<vmem_shared>>
    %dma_start3A_741 = tpu.memref_squeeze %dma_start3A_740 : memref<1x512x32xf32, #tpu.memory_space<vmem_shared>> -> memref<512x32xf32, #tpu.memory_space<vmem_shared>>
    %dma_start3A_742 = arith.constant 0 : i32
    %dma_start3A_743 = arith.constant 0 : i32
    %dma_start3A_744 = tpu.memref_slice %dma_start3A_741[%dma_start3A_742, %dma_start3A_743] : memref<512x32xf32, #tpu.memory_space<vmem_shared>> -> memref<512x32xf32, #tpu.memory_space<vmem_shared>>
    tpu.enqueue_indirect_dma source(%dma_start3A_744 : memref<512x32xf32, #tpu.memory_space<vmem_shared>>) target(%dma_start3A_734 : memref<128x32xf32, #tpu.memory_space<vmem>>) offsets(%dma_start3A_737 : memref<128xi32, #tpu.memory_space<vmem>>) semaphore(%arg8 : memref<!tpu.dma_semaphore, #tpu.memory_space<semaphore_mem>>)
    %dma_start3A_745 = arith.constant 27 : i32
    %dma_start3A_746 = arith.constant 1 : i32
    %dma_start3A_747 = arith.constant 384 : i32
    %dma_start3A_748 = arith.constant 0 : i32
    %dma_start3A_749 = tpu.memref_slice %arg6[%dma_start3A_746, %dma_start3A_747, %dma_start3A_748] : memref<2x1024x32xf32, #tpu.memory_space<vmem>> -> memref<1x128x32xf32, #tpu.memory_space<vmem>>
    %dma_start3A_750 = tpu.memref_squeeze %dma_start3A_749 : memref<1x128x32xf32, #tpu.memory_space<vmem>> -> memref<128x32xf32, #tpu.memory_space<vmem>>
    %dma_start3A_751 = arith.constant 0 : i32
    %dma_start3A_752 = tpu.memref_slice %arg5[%dma_start3A_745, %dma_start3A_751] : memref<32x128xi32, #tpu.memory_space<vmem>> -> memref<1x128xi32, #tpu.memory_space<vmem>>
    %dma_start3A_753 = tpu.memref_squeeze %dma_start3A_752 : memref<1x128xi32, #tpu.memory_space<vmem>> -> memref<128xi32, #tpu.memory_space<vmem>>
    %dma_start3A_754 = arith.constant 0 : i32
    %dma_start3A_755 = arith.constant 0 : i32
    %dma_start3A_756 = tpu.memref_slice %arg7[%arg1, %dma_start3A_754, %dma_start3A_755] : memref<16x512x32xf32, #tpu.memory_space<vmem_shared>> -> memref<1x512x32xf32, #tpu.memory_space<vmem_shared>>
    %dma_start3A_757 = tpu.memref_squeeze %dma_start3A_756 : memref<1x512x32xf32, #tpu.memory_space<vmem_shared>> -> memref<512x32xf32, #tpu.memory_space<vmem_shared>>
    %dma_start3A_758 = arith.constant 0 : i32
    %dma_start3A_759 = arith.constant 0 : i32
    %dma_start3A_760 = tpu.memref_slice %dma_start3A_757[%dma_start3A_758, %dma_start3A_759] : memref<512x32xf32, #tpu.memory_space<vmem_shared>> -> memref<512x32xf32, #tpu.memory_space<vmem_shared>>
    tpu.enqueue_indirect_dma source(%dma_start3A_760 : memref<512x32xf32, #tpu.memory_space<vmem_shared>>) target(%dma_start3A_750 : memref<128x32xf32, #tpu.memory_space<vmem>>) offsets(%dma_start3A_753 : memref<128xi32, #tpu.memory_space<vmem>>) semaphore(%arg8 : memref<!tpu.dma_semaphore, #tpu.memory_space<semaphore_mem>>)
    %dma_start3A_761 = arith.constant 28 : i32
    %dma_start3A_762 = arith.constant 1 : i32
    %dma_start3A_763 = arith.constant 512 : i32
    %dma_start3A_764 = arith.constant 0 : i32
    %dma_start3A_765 = tpu.memref_slice %arg6[%dma_start3A_762, %dma_start3A_763, %dma_start3A_764] : memref<2x1024x32xf32, #tpu.memory_space<vmem>> -> memref<1x128x32xf32, #tpu.memory_space<vmem>>
    %dma_start3A_766 = tpu.memref_squeeze %dma_start3A_765 : memref<1x128x32xf32, #tpu.memory_space<vmem>> -> memref<128x32xf32, #tpu.memory_space<vmem>>
    %dma_start3A_767 = arith.constant 0 : i32
    %dma_start3A_768 = tpu.memref_slice %arg5[%dma_start3A_761, %dma_start3A_767] : memref<32x128xi32, #tpu.memory_space<vmem>> -> memref<1x128xi32, #tpu.memory_space<vmem>>
    %dma_start3A_769 = tpu.memref_squeeze %dma_start3A_768 : memref<1x128xi32, #tpu.memory_space<vmem>> -> memref<128xi32, #tpu.memory_space<vmem>>
    %dma_start3A_770 = arith.constant 0 : i32
    %dma_start3A_771 = arith.constant 0 : i32
    %dma_start3A_772 = tpu.memref_slice %arg7[%arg1, %dma_start3A_770, %dma_start3A_771] : memref<16x512x32xf32, #tpu.memory_space<vmem_shared>> -> memref<1x512x32xf32, #tpu.memory_space<vmem_shared>>
    %dma_start3A_773 = tpu.memref_squeeze %dma_start3A_772 : memref<1x512x32xf32, #tpu.memory_space<vmem_shared>> -> memref<512x32xf32, #tpu.memory_space<vmem_shared>>
    %dma_start3A_774 = arith.constant 0 : i32
    %dma_start3A_775 = arith.constant 0 : i32
    %dma_start3A_776 = tpu.memref_slice %dma_start3A_773[%dma_start3A_774, %dma_start3A_775] : memref<512x32xf32, #tpu.memory_space<vmem_shared>> -> memref<512x32xf32, #tpu.memory_space<vmem_shared>>
    tpu.enqueue_indirect_dma source(%dma_start3A_776 : memref<512x32xf32, #tpu.memory_space<vmem_shared>>) target(%dma_start3A_766 : memref<128x32xf32, #tpu.memory_space<vmem>>) offsets(%dma_start3A_769 : memref<128xi32, #tpu.memory_space<vmem>>) semaphore(%arg8 : memref<!tpu.dma_semaphore, #tpu.memory_space<semaphore_mem>>)
    %dma_start3A_777 = arith.constant 29 : i32
    %dma_start3A_778 = arith.constant 1 : i32
    %dma_start3A_779 = arith.constant 640 : i32
    %dma_start3A_780 = arith.constant 0 : i32
    %dma_start3A_781 = tpu.memref_slice %arg6[%dma_start3A_778, %dma_start3A_779, %dma_start3A_780] : memref<2x1024x32xf32, #tpu.memory_space<vmem>> -> memref<1x128x32xf32, #tpu.memory_space<vmem>>
    %dma_start3A_782 = tpu.memref_squeeze %dma_start3A_781 : memref<1x128x32xf32, #tpu.memory_space<vmem>> -> memref<128x32xf32, #tpu.memory_space<vmem>>
    %dma_start3A_783 = arith.constant 0 : i32
    %dma_start3A_784 = tpu.memref_slice %arg5[%dma_start3A_777, %dma_start3A_783] : memref<32x128xi32, #tpu.memory_space<vmem>> -> memref<1x128xi32, #tpu.memory_space<vmem>>
    %dma_start3A_785 = tpu.memref_squeeze %dma_start3A_784 : memref<1x128xi32, #tpu.memory_space<vmem>> -> memref<128xi32, #tpu.memory_space<vmem>>
    %dma_start3A_786 = arith.constant 0 : i32
    %dma_start3A_787 = arith.constant 0 : i32
    %dma_start3A_788 = tpu.memref_slice %arg7[%arg1, %dma_start3A_786, %dma_start3A_787] : memref<16x512x32xf32, #tpu.memory_space<vmem_shared>> -> memref<1x512x32xf32, #tpu.memory_space<vmem_shared>>
    %dma_start3A_789 = tpu.memref_squeeze %dma_start3A_788 : memref<1x512x32xf32, #tpu.memory_space<vmem_shared>> -> memref<512x32xf32, #tpu.memory_space<vmem_shared>>
    %dma_start3A_790 = arith.constant 0 : i32
    %dma_start3A_791 = arith.constant 0 : i32
    %dma_start3A_792 = tpu.memref_slice %dma_start3A_789[%dma_start3A_790, %dma_start3A_791] : memref<512x32xf32, #tpu.memory_space<vmem_shared>> -> memref<512x32xf32, #tpu.memory_space<vmem_shared>>
    tpu.enqueue_indirect_dma source(%dma_start3A_792 : memref<512x32xf32, #tpu.memory_space<vmem_shared>>) target(%dma_start3A_782 : memref<128x32xf32, #tpu.memory_space<vmem>>) offsets(%dma_start3A_785 : memref<128xi32, #tpu.memory_space<vmem>>) semaphore(%arg8 : memref<!tpu.dma_semaphore, #tpu.memory_space<semaphore_mem>>)
    %dma_start3A_793 = arith.constant 30 : i32
    %dma_start3A_794 = arith.constant 1 : i32
    %dma_start3A_795 = arith.constant 768 : i32
    %dma_start3A_796 = arith.constant 0 : i32
    %dma_start3A_797 = tpu.memref_slice %arg6[%dma_start3A_794, %dma_start3A_795, %dma_start3A_796] : memref<2x1024x32xf32, #tpu.memory_space<vmem>> -> memref<1x128x32xf32, #tpu.memory_space<vmem>>
    %dma_start3A_798 = tpu.memref_squeeze %dma_start3A_797 : memref<1x128x32xf32, #tpu.memory_space<vmem>> -> memref<128x32xf32, #tpu.memory_space<vmem>>
    %dma_start3A_799 = arith.constant 0 : i32
    %dma_start3A_800 = tpu.memref_slice %arg5[%dma_start3A_793, %dma_start3A_799] : memref<32x128xi32, #tpu.memory_space<vmem>> -> memref<1x128xi32, #tpu.memory_space<vmem>>
    %dma_start3A_801 = tpu.memref_squeeze %dma_start3A_800 : memref<1x128xi32, #tpu.memory_space<vmem>> -> memref<128xi32, #tpu.memory_space<vmem>>
    %dma_start3A_802 = arith.constant 0 : i32
    %dma_start3A_803 = arith.constant 0 : i32
    %dma_start3A_804 = tpu.memref_slice %arg7[%arg1, %dma_start3A_802, %dma_start3A_803] : memref<16x512x32xf32, #tpu.memory_space<vmem_shared>> -> memref<1x512x32xf32, #tpu.memory_space<vmem_shared>>
    %dma_start3A_805 = tpu.memref_squeeze %dma_start3A_804 : memref<1x512x32xf32, #tpu.memory_space<vmem_shared>> -> memref<512x32xf32, #tpu.memory_space<vmem_shared>>
    %dma_start3A_806 = arith.constant 0 : i32
    %dma_start3A_807 = arith.constant 0 : i32
    %dma_start3A_808 = tpu.memref_slice %dma_start3A_805[%dma_start3A_806, %dma_start3A_807] : memref<512x32xf32, #tpu.memory_space<vmem_shared>> -> memref<512x32xf32, #tpu.memory_space<vmem_shared>>
    tpu.enqueue_indirect_dma source(%dma_start3A_808 : memref<512x32xf32, #tpu.memory_space<vmem_shared>>) target(%dma_start3A_798 : memref<128x32xf32, #tpu.memory_space<vmem>>) offsets(%dma_start3A_801 : memref<128xi32, #tpu.memory_space<vmem>>) semaphore(%arg8 : memref<!tpu.dma_semaphore, #tpu.memory_space<semaphore_mem>>)
    %dma_start3A_809 = arith.constant 31 : i32
    %dma_start3A_810 = arith.constant 1 : i32
    %dma_start3A_811 = arith.constant 896 : i32
    %dma_start3A_812 = arith.constant 0 : i32
    %dma_start3A_813 = tpu.memref_slice %arg6[%dma_start3A_810, %dma_start3A_811, %dma_start3A_812] : memref<2x1024x32xf32, #tpu.memory_space<vmem>> -> memref<1x128x32xf32, #tpu.memory_space<vmem>>
    %dma_start3A_814 = tpu.memref_squeeze %dma_start3A_813 : memref<1x128x32xf32, #tpu.memory_space<vmem>> -> memref<128x32xf32, #tpu.memory_space<vmem>>
    %dma_start3A_815 = arith.constant 0 : i32
    %dma_start3A_816 = tpu.memref_slice %arg5[%dma_start3A_809, %dma_start3A_815] : memref<32x128xi32, #tpu.memory_space<vmem>> -> memref<1x128xi32, #tpu.memory_space<vmem>>
    %dma_start3A_817 = tpu.memref_squeeze %dma_start3A_816 : memref<1x128xi32, #tpu.memory_space<vmem>> -> memref<128xi32, #tpu.memory_space<vmem>>
    %dma_start3A_818 = arith.constant 0 : i32
    %dma_start3A_819 = arith.constant 0 : i32
    %dma_start3A_820 = tpu.memref_slice %arg7[%arg1, %dma_start3A_818, %dma_start3A_819] : memref<16x512x32xf32, #tpu.memory_space<vmem_shared>> -> memref<1x512x32xf32, #tpu.memory_space<vmem_shared>>
    %dma_start3A_821 = tpu.memref_squeeze %dma_start3A_820 : memref<1x512x32xf32, #tpu.memory_space<vmem_shared>> -> memref<512x32xf32, #tpu.memory_space<vmem_shared>>
    %dma_start3A_822 = arith.constant 0 : i32
    %dma_start3A_823 = arith.constant 0 : i32
    %dma_start3A_824 = tpu.memref_slice %dma_start3A_821[%dma_start3A_822, %dma_start3A_823] : memref<512x32xf32, #tpu.memory_space<vmem_shared>> -> memref<512x32xf32, #tpu.memory_space<vmem_shared>>
    tpu.enqueue_indirect_dma source(%dma_start3A_824 : memref<512x32xf32, #tpu.memory_space<vmem_shared>>) target(%dma_start3A_814 : memref<128x32xf32, #tpu.memory_space<vmem>>) offsets(%dma_start3A_817 : memref<128xi32, #tpu.memory_space<vmem>>) semaphore(%arg8 : memref<!tpu.dma_semaphore, #tpu.memory_space<semaphore_mem>>)
    %dma_wait3A_825 = arith.constant 16 : i32
    %dma_wait3A_826 = arith.constant 0 : i32
    %dma_wait3A_827 = arith.constant 0 : i32
    %dma_wait3A_828 = arith.constant 0 : i32
    %dma_wait3A_829 = tpu.memref_slice %arg6[%dma_wait3A_826, %dma_wait3A_827, %dma_wait3A_828] : memref<2x1024x32xf32, #tpu.memory_space<vmem>> -> memref<1x128x32xf32, #tpu.memory_space<vmem>>
    %dma_wait3A_830 = tpu.memref_squeeze %dma_wait3A_829 : memref<1x128x32xf32, #tpu.memory_space<vmem>> -> memref<128x32xf32, #tpu.memory_space<vmem>>
    %dma_wait3A_831 = arith.constant 0 : i32
    %dma_wait3A_832 = tpu.memref_slice %arg5[%dma_wait3A_825, %dma_wait3A_831] : memref<32x128xi32, #tpu.memory_space<vmem>> -> memref<1x128xi32, #tpu.memory_space<vmem>>
    %dma_wait3A_833 = tpu.memref_squeeze %dma_wait3A_832 : memref<1x128xi32, #tpu.memory_space<vmem>> -> memref<128xi32, #tpu.memory_space<vmem>>
    %dma_wait3A_834 = arith.constant 0 : i32
    %dma_wait3A_835 = arith.constant 0 : i32
    %dma_wait3A_836 = tpu.memref_slice %arg7[%arg1, %dma_wait3A_834, %dma_wait3A_835] : memref<16x512x32xf32, #tpu.memory_space<vmem_shared>> -> memref<1x512x32xf32, #tpu.memory_space<vmem_shared>>
    %dma_wait3A_837 = tpu.memref_squeeze %dma_wait3A_836 : memref<1x512x32xf32, #tpu.memory_space<vmem_shared>> -> memref<512x32xf32, #tpu.memory_space<vmem_shared>>
    %dma_wait3A_838 = arith.constant 0 : i32
    %dma_wait3A_839 = arith.constant 0 : i32
    %dma_wait3A_840 = tpu.memref_slice %dma_wait3A_837[%dma_wait3A_838, %dma_wait3A_839] : memref<512x32xf32, #tpu.memory_space<vmem_shared>> -> memref<512x32xf32, #tpu.memory_space<vmem_shared>>
    tpu.wait_indirect_dma semaphore(%arg8 : memref<!tpu.dma_semaphore, #tpu.memory_space<semaphore_mem>>) src(%dma_wait3A_840 : memref<512x32xf32, #tpu.memory_space<vmem_shared>>) dst(%dma_wait3A_830 : memref<128x32xf32, #tpu.memory_space<vmem>>)
    %dma_wait3A_841 = arith.constant 17 : i32
    %dma_wait3A_842 = arith.constant 0 : i32
    %dma_wait3A_843 = arith.constant 128 : i32
    %dma_wait3A_844 = arith.constant 0 : i32
    %dma_wait3A_845 = tpu.memref_slice %arg6[%dma_wait3A_842, %dma_wait3A_843, %dma_wait3A_844] : memref<2x1024x32xf32, #tpu.memory_space<vmem>> -> memref<1x128x32xf32, #tpu.memory_space<vmem>>
    %dma_wait3A_846 = tpu.memref_squeeze %dma_wait3A_845 : memref<1x128x32xf32, #tpu.memory_space<vmem>> -> memref<128x32xf32, #tpu.memory_space<vmem>>
    %dma_wait3A_847 = arith.constant 0 : i32
    %dma_wait3A_848 = tpu.memref_slice %arg5[%dma_wait3A_841, %dma_wait3A_847] : memref<32x128xi32, #tpu.memory_space<vmem>> -> memref<1x128xi32, #tpu.memory_space<vmem>>
    %dma_wait3A_849 = tpu.memref_squeeze %dma_wait3A_848 : memref<1x128xi32, #tpu.memory_space<vmem>> -> memref<128xi32, #tpu.memory_space<vmem>>
    %dma_wait3A_850 = arith.constant 0 : i32
    %dma_wait3A_851 = arith.constant 0 : i32
    %dma_wait3A_852 = tpu.memref_slice %arg7[%arg1, %dma_wait3A_850, %dma_wait3A_851] : memref<16x512x32xf32, #tpu.memory_space<vmem_shared>> -> memref<1x512x32xf32, #tpu.memory_space<vmem_shared>>
    %dma_wait3A_853 = tpu.memref_squeeze %dma_wait3A_852 : memref<1x512x32xf32, #tpu.memory_space<vmem_shared>> -> memref<512x32xf32, #tpu.memory_space<vmem_shared>>
    %dma_wait3A_854 = arith.constant 0 : i32
    %dma_wait3A_855 = arith.constant 0 : i32
    %dma_wait3A_856 = tpu.memref_slice %dma_wait3A_853[%dma_wait3A_854, %dma_wait3A_855] : memref<512x32xf32, #tpu.memory_space<vmem_shared>> -> memref<512x32xf32, #tpu.memory_space<vmem_shared>>
    tpu.wait_indirect_dma semaphore(%arg8 : memref<!tpu.dma_semaphore, #tpu.memory_space<semaphore_mem>>) src(%dma_wait3A_856 : memref<512x32xf32, #tpu.memory_space<vmem_shared>>) dst(%dma_wait3A_846 : memref<128x32xf32, #tpu.memory_space<vmem>>)
    %dma_wait3A_857 = arith.constant 18 : i32
    %dma_wait3A_858 = arith.constant 0 : i32
    %dma_wait3A_859 = arith.constant 256 : i32
    %dma_wait3A_860 = arith.constant 0 : i32
    %dma_wait3A_861 = tpu.memref_slice %arg6[%dma_wait3A_858, %dma_wait3A_859, %dma_wait3A_860] : memref<2x1024x32xf32, #tpu.memory_space<vmem>> -> memref<1x128x32xf32, #tpu.memory_space<vmem>>
    %dma_wait3A_862 = tpu.memref_squeeze %dma_wait3A_861 : memref<1x128x32xf32, #tpu.memory_space<vmem>> -> memref<128x32xf32, #tpu.memory_space<vmem>>
    %dma_wait3A_863 = arith.constant 0 : i32
    %dma_wait3A_864 = tpu.memref_slice %arg5[%dma_wait3A_857, %dma_wait3A_863] : memref<32x128xi32, #tpu.memory_space<vmem>> -> memref<1x128xi32, #tpu.memory_space<vmem>>
    %dma_wait3A_865 = tpu.memref_squeeze %dma_wait3A_864 : memref<1x128xi32, #tpu.memory_space<vmem>> -> memref<128xi32, #tpu.memory_space<vmem>>
    %dma_wait3A_866 = arith.constant 0 : i32
    %dma_wait3A_867 = arith.constant 0 : i32
    %dma_wait3A_868 = tpu.memref_slice %arg7[%arg1, %dma_wait3A_866, %dma_wait3A_867] : memref<16x512x32xf32, #tpu.memory_space<vmem_shared>> -> memref<1x512x32xf32, #tpu.memory_space<vmem_shared>>
    %dma_wait3A_869 = tpu.memref_squeeze %dma_wait3A_868 : memref<1x512x32xf32, #tpu.memory_space<vmem_shared>> -> memref<512x32xf32, #tpu.memory_space<vmem_shared>>
    %dma_wait3A_870 = arith.constant 0 : i32
    %dma_wait3A_871 = arith.constant 0 : i32
    %dma_wait3A_872 = tpu.memref_slice %dma_wait3A_869[%dma_wait3A_870, %dma_wait3A_871] : memref<512x32xf32, #tpu.memory_space<vmem_shared>> -> memref<512x32xf32, #tpu.memory_space<vmem_shared>>
    tpu.wait_indirect_dma semaphore(%arg8 : memref<!tpu.dma_semaphore, #tpu.memory_space<semaphore_mem>>) src(%dma_wait3A_872 : memref<512x32xf32, #tpu.memory_space<vmem_shared>>) dst(%dma_wait3A_862 : memref<128x32xf32, #tpu.memory_space<vmem>>)
    %dma_wait3A_873 = arith.constant 19 : i32
    %dma_wait3A_874 = arith.constant 0 : i32
    %dma_wait3A_875 = arith.constant 384 : i32
    %dma_wait3A_876 = arith.constant 0 : i32
    %dma_wait3A_877 = tpu.memref_slice %arg6[%dma_wait3A_874, %dma_wait3A_875, %dma_wait3A_876] : memref<2x1024x32xf32, #tpu.memory_space<vmem>> -> memref<1x128x32xf32, #tpu.memory_space<vmem>>
    %dma_wait3A_878 = tpu.memref_squeeze %dma_wait3A_877 : memref<1x128x32xf32, #tpu.memory_space<vmem>> -> memref<128x32xf32, #tpu.memory_space<vmem>>
    %dma_wait3A_879 = arith.constant 0 : i32
    %dma_wait3A_880 = tpu.memref_slice %arg5[%dma_wait3A_873, %dma_wait3A_879] : memref<32x128xi32, #tpu.memory_space<vmem>> -> memref<1x128xi32, #tpu.memory_space<vmem>>
    %dma_wait3A_881 = tpu.memref_squeeze %dma_wait3A_880 : memref<1x128xi32, #tpu.memory_space<vmem>> -> memref<128xi32, #tpu.memory_space<vmem>>
    %dma_wait3A_882 = arith.constant 0 : i32
    %dma_wait3A_883 = arith.constant 0 : i32
    %dma_wait3A_884 = tpu.memref_slice %arg7[%arg1, %dma_wait3A_882, %dma_wait3A_883] : memref<16x512x32xf32, #tpu.memory_space<vmem_shared>> -> memref<1x512x32xf32, #tpu.memory_space<vmem_shared>>
    %dma_wait3A_885 = tpu.memref_squeeze %dma_wait3A_884 : memref<1x512x32xf32, #tpu.memory_space<vmem_shared>> -> memref<512x32xf32, #tpu.memory_space<vmem_shared>>
    %dma_wait3A_886 = arith.constant 0 : i32
    %dma_wait3A_887 = arith.constant 0 : i32
    %dma_wait3A_888 = tpu.memref_slice %dma_wait3A_885[%dma_wait3A_886, %dma_wait3A_887] : memref<512x32xf32, #tpu.memory_space<vmem_shared>> -> memref<512x32xf32, #tpu.memory_space<vmem_shared>>
    tpu.wait_indirect_dma semaphore(%arg8 : memref<!tpu.dma_semaphore, #tpu.memory_space<semaphore_mem>>) src(%dma_wait3A_888 : memref<512x32xf32, #tpu.memory_space<vmem_shared>>) dst(%dma_wait3A_878 : memref<128x32xf32, #tpu.memory_space<vmem>>)
    %dma_wait3A_889 = arith.constant 20 : i32
    %dma_wait3A_890 = arith.constant 0 : i32
    %dma_wait3A_891 = arith.constant 512 : i32
    %dma_wait3A_892 = arith.constant 0 : i32
    %dma_wait3A_893 = tpu.memref_slice %arg6[%dma_wait3A_890, %dma_wait3A_891, %dma_wait3A_892] : memref<2x1024x32xf32, #tpu.memory_space<vmem>> -> memref<1x128x32xf32, #tpu.memory_space<vmem>>
    %dma_wait3A_894 = tpu.memref_squeeze %dma_wait3A_893 : memref<1x128x32xf32, #tpu.memory_space<vmem>> -> memref<128x32xf32, #tpu.memory_space<vmem>>
    %dma_wait3A_895 = arith.constant 0 : i32
    %dma_wait3A_896 = tpu.memref_slice %arg5[%dma_wait3A_889, %dma_wait3A_895] : memref<32x128xi32, #tpu.memory_space<vmem>> -> memref<1x128xi32, #tpu.memory_space<vmem>>
    %dma_wait3A_897 = tpu.memref_squeeze %dma_wait3A_896 : memref<1x128xi32, #tpu.memory_space<vmem>> -> memref<128xi32, #tpu.memory_space<vmem>>
    %dma_wait3A_898 = arith.constant 0 : i32
    %dma_wait3A_899 = arith.constant 0 : i32
    %dma_wait3A_900 = tpu.memref_slice %arg7[%arg1, %dma_wait3A_898, %dma_wait3A_899] : memref<16x512x32xf32, #tpu.memory_space<vmem_shared>> -> memref<1x512x32xf32, #tpu.memory_space<vmem_shared>>
    %dma_wait3A_901 = tpu.memref_squeeze %dma_wait3A_900 : memref<1x512x32xf32, #tpu.memory_space<vmem_shared>> -> memref<512x32xf32, #tpu.memory_space<vmem_shared>>
    %dma_wait3A_902 = arith.constant 0 : i32
    %dma_wait3A_903 = arith.constant 0 : i32
    %dma_wait3A_904 = tpu.memref_slice %dma_wait3A_901[%dma_wait3A_902, %dma_wait3A_903] : memref<512x32xf32, #tpu.memory_space<vmem_shared>> -> memref<512x32xf32, #tpu.memory_space<vmem_shared>>
    tpu.wait_indirect_dma semaphore(%arg8 : memref<!tpu.dma_semaphore, #tpu.memory_space<semaphore_mem>>) src(%dma_wait3A_904 : memref<512x32xf32, #tpu.memory_space<vmem_shared>>) dst(%dma_wait3A_894 : memref<128x32xf32, #tpu.memory_space<vmem>>)
    %dma_wait3A_905 = arith.constant 21 : i32
    %dma_wait3A_906 = arith.constant 0 : i32
    %dma_wait3A_907 = arith.constant 640 : i32
    %dma_wait3A_908 = arith.constant 0 : i32
    %dma_wait3A_909 = tpu.memref_slice %arg6[%dma_wait3A_906, %dma_wait3A_907, %dma_wait3A_908] : memref<2x1024x32xf32, #tpu.memory_space<vmem>> -> memref<1x128x32xf32, #tpu.memory_space<vmem>>
    %dma_wait3A_910 = tpu.memref_squeeze %dma_wait3A_909 : memref<1x128x32xf32, #tpu.memory_space<vmem>> -> memref<128x32xf32, #tpu.memory_space<vmem>>
    %dma_wait3A_911 = arith.constant 0 : i32
    %dma_wait3A_912 = tpu.memref_slice %arg5[%dma_wait3A_905, %dma_wait3A_911] : memref<32x128xi32, #tpu.memory_space<vmem>> -> memref<1x128xi32, #tpu.memory_space<vmem>>
    %dma_wait3A_913 = tpu.memref_squeeze %dma_wait3A_912 : memref<1x128xi32, #tpu.memory_space<vmem>> -> memref<128xi32, #tpu.memory_space<vmem>>
    %dma_wait3A_914 = arith.constant 0 : i32
    %dma_wait3A_915 = arith.constant 0 : i32
    %dma_wait3A_916 = tpu.memref_slice %arg7[%arg1, %dma_wait3A_914, %dma_wait3A_915] : memref<16x512x32xf32, #tpu.memory_space<vmem_shared>> -> memref<1x512x32xf32, #tpu.memory_space<vmem_shared>>
    %dma_wait3A_917 = tpu.memref_squeeze %dma_wait3A_916 : memref<1x512x32xf32, #tpu.memory_space<vmem_shared>> -> memref<512x32xf32, #tpu.memory_space<vmem_shared>>
    %dma_wait3A_918 = arith.constant 0 : i32
    %dma_wait3A_919 = arith.constant 0 : i32
    %dma_wait3A_920 = tpu.memref_slice %dma_wait3A_917[%dma_wait3A_918, %dma_wait3A_919] : memref<512x32xf32, #tpu.memory_space<vmem_shared>> -> memref<512x32xf32, #tpu.memory_space<vmem_shared>>
    tpu.wait_indirect_dma semaphore(%arg8 : memref<!tpu.dma_semaphore, #tpu.memory_space<semaphore_mem>>) src(%dma_wait3A_920 : memref<512x32xf32, #tpu.memory_space<vmem_shared>>) dst(%dma_wait3A_910 : memref<128x32xf32, #tpu.memory_space<vmem>>)
    %dma_wait3A_921 = arith.constant 22 : i32
    %dma_wait3A_922 = arith.constant 0 : i32
    %dma_wait3A_923 = arith.constant 768 : i32
    %dma_wait3A_924 = arith.constant 0 : i32
    %dma_wait3A_925 = tpu.memref_slice %arg6[%dma_wait3A_922, %dma_wait3A_923, %dma_wait3A_924] : memref<2x1024x32xf32, #tpu.memory_space<vmem>> -> memref<1x128x32xf32, #tpu.memory_space<vmem>>
    %dma_wait3A_926 = tpu.memref_squeeze %dma_wait3A_925 : memref<1x128x32xf32, #tpu.memory_space<vmem>> -> memref<128x32xf32, #tpu.memory_space<vmem>>
    %dma_wait3A_927 = arith.constant 0 : i32
    %dma_wait3A_928 = tpu.memref_slice %arg5[%dma_wait3A_921, %dma_wait3A_927] : memref<32x128xi32, #tpu.memory_space<vmem>> -> memref<1x128xi32, #tpu.memory_space<vmem>>
    %dma_wait3A_929 = tpu.memref_squeeze %dma_wait3A_928 : memref<1x128xi32, #tpu.memory_space<vmem>> -> memref<128xi32, #tpu.memory_space<vmem>>
    %dma_wait3A_930 = arith.constant 0 : i32
    %dma_wait3A_931 = arith.constant 0 : i32
    %dma_wait3A_932 = tpu.memref_slice %arg7[%arg1, %dma_wait3A_930, %dma_wait3A_931] : memref<16x512x32xf32, #tpu.memory_space<vmem_shared>> -> memref<1x512x32xf32, #tpu.memory_space<vmem_shared>>
    %dma_wait3A_933 = tpu.memref_squeeze %dma_wait3A_932 : memref<1x512x32xf32, #tpu.memory_space<vmem_shared>> -> memref<512x32xf32, #tpu.memory_space<vmem_shared>>
    %dma_wait3A_934 = arith.constant 0 : i32
    %dma_wait3A_935 = arith.constant 0 : i32
    %dma_wait3A_936 = tpu.memref_slice %dma_wait3A_933[%dma_wait3A_934, %dma_wait3A_935] : memref<512x32xf32, #tpu.memory_space<vmem_shared>> -> memref<512x32xf32, #tpu.memory_space<vmem_shared>>
    tpu.wait_indirect_dma semaphore(%arg8 : memref<!tpu.dma_semaphore, #tpu.memory_space<semaphore_mem>>) src(%dma_wait3A_936 : memref<512x32xf32, #tpu.memory_space<vmem_shared>>) dst(%dma_wait3A_926 : memref<128x32xf32, #tpu.memory_space<vmem>>)
    %dma_wait3A_937 = arith.constant 23 : i32
    %dma_wait3A_938 = arith.constant 0 : i32
    %dma_wait3A_939 = arith.constant 896 : i32
    %dma_wait3A_940 = arith.constant 0 : i32
    %dma_wait3A_941 = tpu.memref_slice %arg6[%dma_wait3A_938, %dma_wait3A_939, %dma_wait3A_940] : memref<2x1024x32xf32, #tpu.memory_space<vmem>> -> memref<1x128x32xf32, #tpu.memory_space<vmem>>
    %dma_wait3A_942 = tpu.memref_squeeze %dma_wait3A_941 : memref<1x128x32xf32, #tpu.memory_space<vmem>> -> memref<128x32xf32, #tpu.memory_space<vmem>>
    %dma_wait3A_943 = arith.constant 0 : i32
    %dma_wait3A_944 = tpu.memref_slice %arg5[%dma_wait3A_937, %dma_wait3A_943] : memref<32x128xi32, #tpu.memory_space<vmem>> -> memref<1x128xi32, #tpu.memory_space<vmem>>
    %dma_wait3A_945 = tpu.memref_squeeze %dma_wait3A_944 : memref<1x128xi32, #tpu.memory_space<vmem>> -> memref<128xi32, #tpu.memory_space<vmem>>
    %dma_wait3A_946 = arith.constant 0 : i32
    %dma_wait3A_947 = arith.constant 0 : i32
    %dma_wait3A_948 = tpu.memref_slice %arg7[%arg1, %dma_wait3A_946, %dma_wait3A_947] : memref<16x512x32xf32, #tpu.memory_space<vmem_shared>> -> memref<1x512x32xf32, #tpu.memory_space<vmem_shared>>
    %dma_wait3A_949 = tpu.memref_squeeze %dma_wait3A_948 : memref<1x512x32xf32, #tpu.memory_space<vmem_shared>> -> memref<512x32xf32, #tpu.memory_space<vmem_shared>>
    %dma_wait3A_950 = arith.constant 0 : i32
    %dma_wait3A_951 = arith.constant 0 : i32
    %dma_wait3A_952 = tpu.memref_slice %dma_wait3A_949[%dma_wait3A_950, %dma_wait3A_951] : memref<512x32xf32, #tpu.memory_space<vmem_shared>> -> memref<512x32xf32, #tpu.memory_space<vmem_shared>>
    tpu.wait_indirect_dma semaphore(%arg8 : memref<!tpu.dma_semaphore, #tpu.memory_space<semaphore_mem>>) src(%dma_wait3A_952 : memref<512x32xf32, #tpu.memory_space<vmem_shared>>) dst(%dma_wait3A_942 : memref<128x32xf32, #tpu.memory_space<vmem>>)
    %add3A_953 = arith.constant 2048 : i32
    %add3A_954 = arith.addi %mul3A_2, %add3A_953 : i32
    %dma_start3A_955 = arith.constant 0 : i32
    %dma_start3A_956 = arith.constant 0 : i32
    %dma_start3A_957 = arith.constant 0 : i32
    %dma_start3A_958 = tpu.memref_slice %arg6[%dma_start3A_955, %dma_start3A_956, %dma_start3A_957] : memref<2x1024x32xf32, #tpu.memory_space<vmem>> -> memref<1x1024x32xf32, #tpu.memory_space<vmem>>
    %dma_start3A_959 = tpu.memref_squeeze %dma_start3A_958 : memref<1x1024x32xf32, #tpu.memory_space<vmem>> -> memref<1024x32xf32, #tpu.memory_space<vmem>>
    %dma_start3A_960 = arith.constant 0 : i32
    %dma_start3A_961 = tpu.memref_slice %arg4[%add3A_954, %dma_start3A_960] : memref<131072x32xf32, #tpu.memory_space<hbm>> -> memref<1024x32xf32, #tpu.memory_space<hbm>>
    %dma_start3A_962 = arith.constant 0 : i32
    %dma_start3A_963 = tpu.memref_slice %arg4[%add3A_954, %dma_start3A_962] : memref<131072x32xf32, #tpu.memory_space<hbm>> -> memref<1024x32xf32, #tpu.memory_space<hbm>>
    %dma_start3A_964 = arith.constant 0 : i32
    %dma_start3A_965 = arith.constant 0 : i32
    %dma_start3A_966 = tpu.memref_slice %arg6[%dma_start3A_955, %dma_start3A_964, %dma_start3A_965] : memref<2x1024x32xf32, #tpu.memory_space<vmem>> -> memref<1x1024x32xf32, #tpu.memory_space<vmem>>
    %dma_start3A_967 = tpu.memref_squeeze %dma_start3A_966 : memref<1x1024x32xf32, #tpu.memory_space<vmem>> -> memref<1024x32xf32, #tpu.memory_space<vmem>>
    tpu.enqueue_dma source(%dma_start3A_967 : memref<1024x32xf32, #tpu.memory_space<vmem>>) target(%dma_start3A_963 : memref<1024x32xf32, #tpu.memory_space<hbm>>) target_semaphore(%arg9 : memref<!tpu.dma_semaphore, #tpu.memory_space<semaphore_mem>>)
    %dma_wait3A_968 = arith.constant 24 : i32
    %dma_wait3A_969 = arith.constant 1 : i32
    %dma_wait3A_970 = arith.constant 0 : i32
    %dma_wait3A_971 = arith.constant 0 : i32
    %dma_wait3A_972 = tpu.memref_slice %arg6[%dma_wait3A_969, %dma_wait3A_970, %dma_wait3A_971] : memref<2x1024x32xf32, #tpu.memory_space<vmem>> -> memref<1x128x32xf32, #tpu.memory_space<vmem>>
    %dma_wait3A_973 = tpu.memref_squeeze %dma_wait3A_972 : memref<1x128x32xf32, #tpu.memory_space<vmem>> -> memref<128x32xf32, #tpu.memory_space<vmem>>
    %dma_wait3A_974 = arith.constant 0 : i32
    %dma_wait3A_975 = tpu.memref_slice %arg5[%dma_wait3A_968, %dma_wait3A_974] : memref<32x128xi32, #tpu.memory_space<vmem>> -> memref<1x128xi32, #tpu.memory_space<vmem>>
    %dma_wait3A_976 = tpu.memref_squeeze %dma_wait3A_975 : memref<1x128xi32, #tpu.memory_space<vmem>> -> memref<128xi32, #tpu.memory_space<vmem>>
    %dma_wait3A_977 = arith.constant 0 : i32
    %dma_wait3A_978 = arith.constant 0 : i32
    %dma_wait3A_979 = tpu.memref_slice %arg7[%arg1, %dma_wait3A_977, %dma_wait3A_978] : memref<16x512x32xf32, #tpu.memory_space<vmem_shared>> -> memref<1x512x32xf32, #tpu.memory_space<vmem_shared>>
    %dma_wait3A_980 = tpu.memref_squeeze %dma_wait3A_979 : memref<1x512x32xf32, #tpu.memory_space<vmem_shared>> -> memref<512x32xf32, #tpu.memory_space<vmem_shared>>
    %dma_wait3A_981 = arith.constant 0 : i32
    %dma_wait3A_982 = arith.constant 0 : i32
    %dma_wait3A_983 = tpu.memref_slice %dma_wait3A_980[%dma_wait3A_981, %dma_wait3A_982] : memref<512x32xf32, #tpu.memory_space<vmem_shared>> -> memref<512x32xf32, #tpu.memory_space<vmem_shared>>
    tpu.wait_indirect_dma semaphore(%arg8 : memref<!tpu.dma_semaphore, #tpu.memory_space<semaphore_mem>>) src(%dma_wait3A_983 : memref<512x32xf32, #tpu.memory_space<vmem_shared>>) dst(%dma_wait3A_973 : memref<128x32xf32, #tpu.memory_space<vmem>>)
    %dma_wait3A_984 = arith.constant 25 : i32
    %dma_wait3A_985 = arith.constant 1 : i32
    %dma_wait3A_986 = arith.constant 128 : i32
    %dma_wait3A_987 = arith.constant 0 : i32
    %dma_wait3A_988 = tpu.memref_slice %arg6[%dma_wait3A_985, %dma_wait3A_986, %dma_wait3A_987] : memref<2x1024x32xf32, #tpu.memory_space<vmem>> -> memref<1x128x32xf32, #tpu.memory_space<vmem>>
    %dma_wait3A_989 = tpu.memref_squeeze %dma_wait3A_988 : memref<1x128x32xf32, #tpu.memory_space<vmem>> -> memref<128x32xf32, #tpu.memory_space<vmem>>
    %dma_wait3A_990 = arith.constant 0 : i32
    %dma_wait3A_991 = tpu.memref_slice %arg5[%dma_wait3A_984, %dma_wait3A_990] : memref<32x128xi32, #tpu.memory_space<vmem>> -> memref<1x128xi32, #tpu.memory_space<vmem>>
    %dma_wait3A_992 = tpu.memref_squeeze %dma_wait3A_991 : memref<1x128xi32, #tpu.memory_space<vmem>> -> memref<128xi32, #tpu.memory_space<vmem>>
    %dma_wait3A_993 = arith.constant 0 : i32
    %dma_wait3A_994 = arith.constant 0 : i32
    %dma_wait3A_995 = tpu.memref_slice %arg7[%arg1, %dma_wait3A_993, %dma_wait3A_994] : memref<16x512x32xf32, #tpu.memory_space<vmem_shared>> -> memref<1x512x32xf32, #tpu.memory_space<vmem_shared>>
    %dma_wait3A_996 = tpu.memref_squeeze %dma_wait3A_995 : memref<1x512x32xf32, #tpu.memory_space<vmem_shared>> -> memref<512x32xf32, #tpu.memory_space<vmem_shared>>
    %dma_wait3A_997 = arith.constant 0 : i32
    %dma_wait3A_998 = arith.constant 0 : i32
    %dma_wait3A_999 = tpu.memref_slice %dma_wait3A_996[%dma_wait3A_997, %dma_wait3A_998] : memref<512x32xf32, #tpu.memory_space<vmem_shared>> -> memref<512x32xf32, #tpu.memory_space<vmem_shared>>
    tpu.wait_indirect_dma semaphore(%arg8 : memref<!tpu.dma_semaphore, #tpu.memory_space<semaphore_mem>>) src(%dma_wait3A_999 : memref<512x32xf32, #tpu.memory_space<vmem_shared>>) dst(%dma_wait3A_989 : memref<128x32xf32, #tpu.memory_space<vmem>>)
    %dma_wait3A_1000 = arith.constant 26 : i32
    %dma_wait3A_1001 = arith.constant 1 : i32
    %dma_wait3A_1002 = arith.constant 256 : i32
    %dma_wait3A_1003 = arith.constant 0 : i32
    %dma_wait3A_1004 = tpu.memref_slice %arg6[%dma_wait3A_1001, %dma_wait3A_1002, %dma_wait3A_1003] : memref<2x1024x32xf32, #tpu.memory_space<vmem>> -> memref<1x128x32xf32, #tpu.memory_space<vmem>>
    %dma_wait3A_1005 = tpu.memref_squeeze %dma_wait3A_1004 : memref<1x128x32xf32, #tpu.memory_space<vmem>> -> memref<128x32xf32, #tpu.memory_space<vmem>>
    %dma_wait3A_1006 = arith.constant 0 : i32
    %dma_wait3A_1007 = tpu.memref_slice %arg5[%dma_wait3A_1000, %dma_wait3A_1006] : memref<32x128xi32, #tpu.memory_space<vmem>> -> memref<1x128xi32, #tpu.memory_space<vmem>>
    %dma_wait3A_1008 = tpu.memref_squeeze %dma_wait3A_1007 : memref<1x128xi32, #tpu.memory_space<vmem>> -> memref<128xi32, #tpu.memory_space<vmem>>
    %dma_wait3A_1009 = arith.constant 0 : i32
    %dma_wait3A_1010 = arith.constant 0 : i32
    %dma_wait3A_1011 = tpu.memref_slice %arg7[%arg1, %dma_wait3A_1009, %dma_wait3A_1010] : memref<16x512x32xf32, #tpu.memory_space<vmem_shared>> -> memref<1x512x32xf32, #tpu.memory_space<vmem_shared>>
    %dma_wait3A_1012 = tpu.memref_squeeze %dma_wait3A_1011 : memref<1x512x32xf32, #tpu.memory_space<vmem_shared>> -> memref<512x32xf32, #tpu.memory_space<vmem_shared>>
    %dma_wait3A_1013 = arith.constant 0 : i32
    %dma_wait3A_1014 = arith.constant 0 : i32
    %dma_wait3A_1015 = tpu.memref_slice %dma_wait3A_1012[%dma_wait3A_1013, %dma_wait3A_1014] : memref<512x32xf32, #tpu.memory_space<vmem_shared>> -> memref<512x32xf32, #tpu.memory_space<vmem_shared>>
    tpu.wait_indirect_dma semaphore(%arg8 : memref<!tpu.dma_semaphore, #tpu.memory_space<semaphore_mem>>) src(%dma_wait3A_1015 : memref<512x32xf32, #tpu.memory_space<vmem_shared>>) dst(%dma_wait3A_1005 : memref<128x32xf32, #tpu.memory_space<vmem>>)
    %dma_wait3A_1016 = arith.constant 27 : i32
    %dma_wait3A_1017 = arith.constant 1 : i32
    %dma_wait3A_1018 = arith.constant 384 : i32
    %dma_wait3A_1019 = arith.constant 0 : i32
    %dma_wait3A_1020 = tpu.memref_slice %arg6[%dma_wait3A_1017, %dma_wait3A_1018, %dma_wait3A_1019] : memref<2x1024x32xf32, #tpu.memory_space<vmem>> -> memref<1x128x32xf32, #tpu.memory_space<vmem>>
    %dma_wait3A_1021 = tpu.memref_squeeze %dma_wait3A_1020 : memref<1x128x32xf32, #tpu.memory_space<vmem>> -> memref<128x32xf32, #tpu.memory_space<vmem>>
    %dma_wait3A_1022 = arith.constant 0 : i32
    %dma_wait3A_1023 = tpu.memref_slice %arg5[%dma_wait3A_1016, %dma_wait3A_1022] : memref<32x128xi32, #tpu.memory_space<vmem>> -> memref<1x128xi32, #tpu.memory_space<vmem>>
    %dma_wait3A_1024 = tpu.memref_squeeze %dma_wait3A_1023 : memref<1x128xi32, #tpu.memory_space<vmem>> -> memref<128xi32, #tpu.memory_space<vmem>>
    %dma_wait3A_1025 = arith.constant 0 : i32
    %dma_wait3A_1026 = arith.constant 0 : i32
    %dma_wait3A_1027 = tpu.memref_slice %arg7[%arg1, %dma_wait3A_1025, %dma_wait3A_1026] : memref<16x512x32xf32, #tpu.memory_space<vmem_shared>> -> memref<1x512x32xf32, #tpu.memory_space<vmem_shared>>
    %dma_wait3A_1028 = tpu.memref_squeeze %dma_wait3A_1027 : memref<1x512x32xf32, #tpu.memory_space<vmem_shared>> -> memref<512x32xf32, #tpu.memory_space<vmem_shared>>
    %dma_wait3A_1029 = arith.constant 0 : i32
    %dma_wait3A_1030 = arith.constant 0 : i32
    %dma_wait3A_1031 = tpu.memref_slice %dma_wait3A_1028[%dma_wait3A_1029, %dma_wait3A_1030] : memref<512x32xf32, #tpu.memory_space<vmem_shared>> -> memref<512x32xf32, #tpu.memory_space<vmem_shared>>
    tpu.wait_indirect_dma semaphore(%arg8 : memref<!tpu.dma_semaphore, #tpu.memory_space<semaphore_mem>>) src(%dma_wait3A_1031 : memref<512x32xf32, #tpu.memory_space<vmem_shared>>) dst(%dma_wait3A_1021 : memref<128x32xf32, #tpu.memory_space<vmem>>)
    %dma_wait3A_1032 = arith.constant 28 : i32
    %dma_wait3A_1033 = arith.constant 1 : i32
    %dma_wait3A_1034 = arith.constant 512 : i32
    %dma_wait3A_1035 = arith.constant 0 : i32
    %dma_wait3A_1036 = tpu.memref_slice %arg6[%dma_wait3A_1033, %dma_wait3A_1034, %dma_wait3A_1035] : memref<2x1024x32xf32, #tpu.memory_space<vmem>> -> memref<1x128x32xf32, #tpu.memory_space<vmem>>
    %dma_wait3A_1037 = tpu.memref_squeeze %dma_wait3A_1036 : memref<1x128x32xf32, #tpu.memory_space<vmem>> -> memref<128x32xf32, #tpu.memory_space<vmem>>
    %dma_wait3A_1038 = arith.constant 0 : i32
    %dma_wait3A_1039 = tpu.memref_slice %arg5[%dma_wait3A_1032, %dma_wait3A_1038] : memref<32x128xi32, #tpu.memory_space<vmem>> -> memref<1x128xi32, #tpu.memory_space<vmem>>
    %dma_wait3A_1040 = tpu.memref_squeeze %dma_wait3A_1039 : memref<1x128xi32, #tpu.memory_space<vmem>> -> memref<128xi32, #tpu.memory_space<vmem>>
    %dma_wait3A_1041 = arith.constant 0 : i32
    %dma_wait3A_1042 = arith.constant 0 : i32
    %dma_wait3A_1043 = tpu.memref_slice %arg7[%arg1, %dma_wait3A_1041, %dma_wait3A_1042] : memref<16x512x32xf32, #tpu.memory_space<vmem_shared>> -> memref<1x512x32xf32, #tpu.memory_space<vmem_shared>>
    %dma_wait3A_1044 = tpu.memref_squeeze %dma_wait3A_1043 : memref<1x512x32xf32, #tpu.memory_space<vmem_shared>> -> memref<512x32xf32, #tpu.memory_space<vmem_shared>>
    %dma_wait3A_1045 = arith.constant 0 : i32
    %dma_wait3A_1046 = arith.constant 0 : i32
    %dma_wait3A_1047 = tpu.memref_slice %dma_wait3A_1044[%dma_wait3A_1045, %dma_wait3A_1046] : memref<512x32xf32, #tpu.memory_space<vmem_shared>> -> memref<512x32xf32, #tpu.memory_space<vmem_shared>>
    tpu.wait_indirect_dma semaphore(%arg8 : memref<!tpu.dma_semaphore, #tpu.memory_space<semaphore_mem>>) src(%dma_wait3A_1047 : memref<512x32xf32, #tpu.memory_space<vmem_shared>>) dst(%dma_wait3A_1037 : memref<128x32xf32, #tpu.memory_space<vmem>>)
    %dma_wait3A_1048 = arith.constant 29 : i32
    %dma_wait3A_1049 = arith.constant 1 : i32
    %dma_wait3A_1050 = arith.constant 640 : i32
    %dma_wait3A_1051 = arith.constant 0 : i32
    %dma_wait3A_1052 = tpu.memref_slice %arg6[%dma_wait3A_1049, %dma_wait3A_1050, %dma_wait3A_1051] : memref<2x1024x32xf32, #tpu.memory_space<vmem>> -> memref<1x128x32xf32, #tpu.memory_space<vmem>>
    %dma_wait3A_1053 = tpu.memref_squeeze %dma_wait3A_1052 : memref<1x128x32xf32, #tpu.memory_space<vmem>> -> memref<128x32xf32, #tpu.memory_space<vmem>>
    %dma_wait3A_1054 = arith.constant 0 : i32
    %dma_wait3A_1055 = tpu.memref_slice %arg5[%dma_wait3A_1048, %dma_wait3A_1054] : memref<32x128xi32, #tpu.memory_space<vmem>> -> memref<1x128xi32, #tpu.memory_space<vmem>>
    %dma_wait3A_1056 = tpu.memref_squeeze %dma_wait3A_1055 : memref<1x128xi32, #tpu.memory_space<vmem>> -> memref<128xi32, #tpu.memory_space<vmem>>
    %dma_wait3A_1057 = arith.constant 0 : i32
    %dma_wait3A_1058 = arith.constant 0 : i32
    %dma_wait3A_1059 = tpu.memref_slice %arg7[%arg1, %dma_wait3A_1057, %dma_wait3A_1058] : memref<16x512x32xf32, #tpu.memory_space<vmem_shared>> -> memref<1x512x32xf32, #tpu.memory_space<vmem_shared>>
    %dma_wait3A_1060 = tpu.memref_squeeze %dma_wait3A_1059 : memref<1x512x32xf32, #tpu.memory_space<vmem_shared>> -> memref<512x32xf32, #tpu.memory_space<vmem_shared>>
    %dma_wait3A_1061 = arith.constant 0 : i32
    %dma_wait3A_1062 = arith.constant 0 : i32
    %dma_wait3A_1063 = tpu.memref_slice %dma_wait3A_1060[%dma_wait3A_1061, %dma_wait3A_1062] : memref<512x32xf32, #tpu.memory_space<vmem_shared>> -> memref<512x32xf32, #tpu.memory_space<vmem_shared>>
    tpu.wait_indirect_dma semaphore(%arg8 : memref<!tpu.dma_semaphore, #tpu.memory_space<semaphore_mem>>) src(%dma_wait3A_1063 : memref<512x32xf32, #tpu.memory_space<vmem_shared>>) dst(%dma_wait3A_1053 : memref<128x32xf32, #tpu.memory_space<vmem>>)
    %dma_wait3A_1064 = arith.constant 30 : i32
    %dma_wait3A_1065 = arith.constant 1 : i32
    %dma_wait3A_1066 = arith.constant 768 : i32
    %dma_wait3A_1067 = arith.constant 0 : i32
    %dma_wait3A_1068 = tpu.memref_slice %arg6[%dma_wait3A_1065, %dma_wait3A_1066, %dma_wait3A_1067] : memref<2x1024x32xf32, #tpu.memory_space<vmem>> -> memref<1x128x32xf32, #tpu.memory_space<vmem>>
    %dma_wait3A_1069 = tpu.memref_squeeze %dma_wait3A_1068 : memref<1x128x32xf32, #tpu.memory_space<vmem>> -> memref<128x32xf32, #tpu.memory_space<vmem>>
    %dma_wait3A_1070 = arith.constant 0 : i32
    %dma_wait3A_1071 = tpu.memref_slice %arg5[%dma_wait3A_1064, %dma_wait3A_1070] : memref<32x128xi32, #tpu.memory_space<vmem>> -> memref<1x128xi32, #tpu.memory_space<vmem>>
    %dma_wait3A_1072 = tpu.memref_squeeze %dma_wait3A_1071 : memref<1x128xi32, #tpu.memory_space<vmem>> -> memref<128xi32, #tpu.memory_space<vmem>>
    %dma_wait3A_1073 = arith.constant 0 : i32
    %dma_wait3A_1074 = arith.constant 0 : i32
    %dma_wait3A_1075 = tpu.memref_slice %arg7[%arg1, %dma_wait3A_1073, %dma_wait3A_1074] : memref<16x512x32xf32, #tpu.memory_space<vmem_shared>> -> memref<1x512x32xf32, #tpu.memory_space<vmem_shared>>
    %dma_wait3A_1076 = tpu.memref_squeeze %dma_wait3A_1075 : memref<1x512x32xf32, #tpu.memory_space<vmem_shared>> -> memref<512x32xf32, #tpu.memory_space<vmem_shared>>
    %dma_wait3A_1077 = arith.constant 0 : i32
    %dma_wait3A_1078 = arith.constant 0 : i32
    %dma_wait3A_1079 = tpu.memref_slice %dma_wait3A_1076[%dma_wait3A_1077, %dma_wait3A_1078] : memref<512x32xf32, #tpu.memory_space<vmem_shared>> -> memref<512x32xf32, #tpu.memory_space<vmem_shared>>
    tpu.wait_indirect_dma semaphore(%arg8 : memref<!tpu.dma_semaphore, #tpu.memory_space<semaphore_mem>>) src(%dma_wait3A_1079 : memref<512x32xf32, #tpu.memory_space<vmem_shared>>) dst(%dma_wait3A_1069 : memref<128x32xf32, #tpu.memory_space<vmem>>)
    %dma_wait3A_1080 = arith.constant 31 : i32
    %dma_wait3A_1081 = arith.constant 1 : i32
    %dma_wait3A_1082 = arith.constant 896 : i32
    %dma_wait3A_1083 = arith.constant 0 : i32
    %dma_wait3A_1084 = tpu.memref_slice %arg6[%dma_wait3A_1081, %dma_wait3A_1082, %dma_wait3A_1083] : memref<2x1024x32xf32, #tpu.memory_space<vmem>> -> memref<1x128x32xf32, #tpu.memory_space<vmem>>
    %dma_wait3A_1085 = tpu.memref_squeeze %dma_wait3A_1084 : memref<1x128x32xf32, #tpu.memory_space<vmem>> -> memref<128x32xf32, #tpu.memory_space<vmem>>
    %dma_wait3A_1086 = arith.constant 0 : i32
    %dma_wait3A_1087 = tpu.memref_slice %arg5[%dma_wait3A_1080, %dma_wait3A_1086] : memref<32x128xi32, #tpu.memory_space<vmem>> -> memref<1x128xi32, #tpu.memory_space<vmem>>
    %dma_wait3A_1088 = tpu.memref_squeeze %dma_wait3A_1087 : memref<1x128xi32, #tpu.memory_space<vmem>> -> memref<128xi32, #tpu.memory_space<vmem>>
    %dma_wait3A_1089 = arith.constant 0 : i32
    %dma_wait3A_1090 = arith.constant 0 : i32
    %dma_wait3A_1091 = tpu.memref_slice %arg7[%arg1, %dma_wait3A_1089, %dma_wait3A_1090] : memref<16x512x32xf32, #tpu.memory_space<vmem_shared>> -> memref<1x512x32xf32, #tpu.memory_space<vmem_shared>>
    %dma_wait3A_1092 = tpu.memref_squeeze %dma_wait3A_1091 : memref<1x512x32xf32, #tpu.memory_space<vmem_shared>> -> memref<512x32xf32, #tpu.memory_space<vmem_shared>>
    %dma_wait3A_1093 = arith.constant 0 : i32
    %dma_wait3A_1094 = arith.constant 0 : i32
    %dma_wait3A_1095 = tpu.memref_slice %dma_wait3A_1092[%dma_wait3A_1093, %dma_wait3A_1094] : memref<512x32xf32, #tpu.memory_space<vmem_shared>> -> memref<512x32xf32, #tpu.memory_space<vmem_shared>>
    tpu.wait_indirect_dma semaphore(%arg8 : memref<!tpu.dma_semaphore, #tpu.memory_space<semaphore_mem>>) src(%dma_wait3A_1095 : memref<512x32xf32, #tpu.memory_space<vmem_shared>>) dst(%dma_wait3A_1085 : memref<128x32xf32, #tpu.memory_space<vmem>>)
    %add3A_1096 = arith.constant 3072 : i32
    %add3A_1097 = arith.addi %mul3A_2, %add3A_1096 : i32
    %dma_start3A_1098 = arith.constant 1 : i32
    %dma_start3A_1099 = arith.constant 0 : i32
    %dma_start3A_1100 = arith.constant 0 : i32
    %dma_start3A_1101 = tpu.memref_slice %arg6[%dma_start3A_1098, %dma_start3A_1099, %dma_start3A_1100] : memref<2x1024x32xf32, #tpu.memory_space<vmem>> -> memref<1x1024x32xf32, #tpu.memory_space<vmem>>
    %dma_start3A_1102 = tpu.memref_squeeze %dma_start3A_1101 : memref<1x1024x32xf32, #tpu.memory_space<vmem>> -> memref<1024x32xf32, #tpu.memory_space<vmem>>
    %dma_start3A_1103 = arith.constant 0 : i32
    %dma_start3A_1104 = tpu.memref_slice %arg4[%add3A_1097, %dma_start3A_1103] : memref<131072x32xf32, #tpu.memory_space<hbm>> -> memref<1024x32xf32, #tpu.memory_space<hbm>>
    %dma_start3A_1105 = arith.constant 0 : i32
    %dma_start3A_1106 = tpu.memref_slice %arg4[%add3A_1097, %dma_start3A_1105] : memref<131072x32xf32, #tpu.memory_space<hbm>> -> memref<1024x32xf32, #tpu.memory_space<hbm>>
    %dma_start3A_1107 = arith.constant 0 : i32
    %dma_start3A_1108 = arith.constant 0 : i32
    %dma_start3A_1109 = tpu.memref_slice %arg6[%dma_start3A_1098, %dma_start3A_1107, %dma_start3A_1108] : memref<2x1024x32xf32, #tpu.memory_space<vmem>> -> memref<1x1024x32xf32, #tpu.memory_space<vmem>>
    %dma_start3A_1110 = tpu.memref_squeeze %dma_start3A_1109 : memref<1x1024x32xf32, #tpu.memory_space<vmem>> -> memref<1024x32xf32, #tpu.memory_space<vmem>>
    tpu.enqueue_dma source(%dma_start3A_1110 : memref<1024x32xf32, #tpu.memory_space<vmem>>) target(%dma_start3A_1106 : memref<1024x32xf32, #tpu.memory_space<hbm>>) target_semaphore(%arg9 : memref<!tpu.dma_semaphore, #tpu.memory_space<semaphore_mem>>)
    %dma_wait3A_1111 = arith.constant 0 : i32
    %dma_wait3A_1112 = arith.constant 0 : i32
    %dma_wait3A_1113 = arith.constant 0 : i32
    %dma_wait3A_1114 = tpu.memref_slice %arg6[%dma_wait3A_1111, %dma_wait3A_1112, %dma_wait3A_1113] : memref<2x1024x32xf32, #tpu.memory_space<vmem>> -> memref<1x1024x32xf32, #tpu.memory_space<vmem>>
    %dma_wait3A_1115 = tpu.memref_squeeze %dma_wait3A_1114 : memref<1x1024x32xf32, #tpu.memory_space<vmem>> -> memref<1024x32xf32, #tpu.memory_space<vmem>>
    %dma_wait3A_1116 = arith.constant 0 : i32
    %dma_wait3A_1117 = tpu.memref_slice %arg4[%add3A_954, %dma_wait3A_1116] : memref<131072x32xf32, #tpu.memory_space<hbm>> -> memref<1024x32xf32, #tpu.memory_space<hbm>>
    %dma_wait3A_1118 = arith.constant 0 : i32
    %dma_wait3A_1119 = tpu.memref_slice %arg4[%add3A_954, %dma_wait3A_1118] : memref<131072x32xf32, #tpu.memory_space<hbm>> -> memref<1024x32xf32, #tpu.memory_space<hbm>>
    %dma_wait3A_1120 = arith.constant 0 : i32
    %dma_wait3A_1121 = arith.constant 0 : i32
    %dma_wait3A_1122 = tpu.memref_slice %arg6[%dma_wait3A_1111, %dma_wait3A_1120, %dma_wait3A_1121] : memref<2x1024x32xf32, #tpu.memory_space<vmem>> -> memref<1x1024x32xf32, #tpu.memory_space<vmem>>
    %dma_wait3A_1123 = tpu.memref_squeeze %dma_wait3A_1122 : memref<1x1024x32xf32, #tpu.memory_space<vmem>> -> memref<1024x32xf32, #tpu.memory_space<vmem>>
    tpu.wait_dma2 semaphore(%arg9 : memref<!tpu.dma_semaphore, #tpu.memory_space<semaphore_mem>>) src(%dma_wait3A_1123 : memref<1024x32xf32, #tpu.memory_space<vmem>>) dst(%dma_wait3A_1119 : memref<1024x32xf32, #tpu.memory_space<hbm>>)
    %dma_wait3A_1124 = arith.constant 1 : i32
    %dma_wait3A_1125 = arith.constant 0 : i32
    %dma_wait3A_1126 = arith.constant 0 : i32
    %dma_wait3A_1127 = tpu.memref_slice %arg6[%dma_wait3A_1124, %dma_wait3A_1125, %dma_wait3A_1126] : memref<2x1024x32xf32, #tpu.memory_space<vmem>> -> memref<1x1024x32xf32, #tpu.memory_space<vmem>>
    %dma_wait3A_1128 = tpu.memref_squeeze %dma_wait3A_1127 : memref<1x1024x32xf32, #tpu.memory_space<vmem>> -> memref<1024x32xf32, #tpu.memory_space<vmem>>
    %dma_wait3A_1129 = arith.constant 0 : i32
    %dma_wait3A_1130 = tpu.memref_slice %arg4[%add3A_1097, %dma_wait3A_1129] : memref<131072x32xf32, #tpu.memory_space<hbm>> -> memref<1024x32xf32, #tpu.memory_space<hbm>>
    %dma_wait3A_1131 = arith.constant 0 : i32
    %dma_wait3A_1132 = tpu.memref_slice %arg4[%add3A_1097, %dma_wait3A_1131] : memref<131072x32xf32, #tpu.memory_space<hbm>> -> memref<1024x32xf32, #tpu.memory_space<hbm>>
    %dma_wait3A_1133 = arith.constant 0 : i32
    %dma_wait3A_1134 = arith.constant 0 : i32
    %dma_wait3A_1135 = tpu.memref_slice %arg6[%dma_wait3A_1124, %dma_wait3A_1133, %dma_wait3A_1134] : memref<2x1024x32xf32, #tpu.memory_space<vmem>> -> memref<1x1024x32xf32, #tpu.memory_space<vmem>>
    %dma_wait3A_1136 = tpu.memref_squeeze %dma_wait3A_1135 : memref<1x1024x32xf32, #tpu.memory_space<vmem>> -> memref<1024x32xf32, #tpu.memory_space<vmem>>
    tpu.wait_dma2 semaphore(%arg9 : memref<!tpu.dma_semaphore, #tpu.memory_space<semaphore_mem>>) src(%dma_wait3A_1136 : memref<1024x32xf32, #tpu.memory_space<vmem>>) dst(%dma_wait3A_1132 : memref<1024x32xf32, #tpu.memory_space<hbm>>)
    return
  }
}

module attributes {stable_mosaic.version = 14 : i64} {
  func.func @_argmin_body(%arg0: i32, %arg1: i32, %arg2: memref<1x32x2048xf32, #tpu.memory_space<vmem>>, %arg3: memref<512x32xf32, #tpu.memory_space<vmem>>, %arg4: memref<1x16x128xi32, #tpu.memory_space<vmem>>) attributes {dimension_semantics = [#tpu.dimension_semantics<parallel>, #tpu.dimension_semantics<parallel>], iteration_bounds = array<i64: 8, 8>, scalar_prefetch = 0 : i64, scratch_operands = 0 : i64, tpu.core_type = #tpu.core_type<tc>, window_params = [{transform_indices = @transform_0, window_bounds = array<i64: 1, 32, 2048>}, {pipeline_mode = #tpu.pipeline_mode<synchronous>, transform_indices = @transform_1, window_bounds = array<i64: 512, 32>}, {transform_indices = @transform_2, window_bounds = array<i64: 1, 16, 128>}]} {
    %get3A = arith.constant 0 : index
    %get3A_0 = arith.constant 0 : index
    %get3A_1 = arith.constant 0 : index
    %get3A_2 = vector.load %arg2[%get3A, %get3A_0, %get3A_1] : memref<1x32x2048xf32, #tpu.memory_space<vmem>>, vector<1x32x2048xf32>
    %get3A_3 = vector.shape_cast %get3A_2 : vector<1x32x2048xf32> to vector<32x2048xf32>
    %get3A_4 = arith.constant 0 : index
    %get3A_5 = arith.constant 0 : index
    %get3A_6 = vector.load %arg3[%get3A_4, %get3A_5] : memref<512x32xf32, #tpu.memory_space<vmem>>, vector<512x32xf32>
    %mul3A = arith.constant -2.000000e+00 : f32
    %mul3A_7 = vector.broadcast %mul3A : f32 to vector<512x32xf32>
    %mul3A_8 = arith.mulf %mul3A_7, %get3A_6 : vector<512x32xf32>
    %dot_general3A = arith.constant dense<0.000000e+00> : vector<512x2048xf32>
    %dot_general3A_9 = tpu.matmul %mul3A_8, %get3A_3, %dot_general3A {dimension_numbers = #tpu.dot_dimension_numbers<[1], [0], [0], [1], [0, 0, 1, 1], [], []>, transpose_lhs_hint = false} : vector<512x32xf32>, vector<32x2048xf32>, vector<512x2048xf32> -> vector<512x2048xf32>
    %mul3A_10 = arith.mulf %get3A_3, %get3A_3 : vector<32x2048xf32>
    %reduce_sum3A = arith.constant dense<0.000000e+00> : vector<2048xf32>
    %reduce_sum3A_11 = vector.multi_reduction <add>, %mul3A_10, %reduce_sum3A [0] : vector<32x2048xf32> to vector<2048xf32>
    %broadcast_in_dim3A = vector.shape_cast %reduce_sum3A_11 : vector<2048xf32> to vector<1x2048xf32>
    %mul3A_12 = arith.mulf %get3A_6, %get3A_6 : vector<512x32xf32>
    %reduce_sum3A_13 = arith.constant dense<0.000000e+00> : vector<512xf32>
    %reduce_sum3A_14 = vector.multi_reduction <add>, %mul3A_12, %reduce_sum3A_13 [1] : vector<512x32xf32> to vector<512xf32>
    %broadcast_in_dim3A_15 = vector.shape_cast %reduce_sum3A_14 : vector<512xf32> to vector<512x1xf32>
    %add3A = vector.broadcast %broadcast_in_dim3A : vector<1x2048xf32> to vector<512x2048xf32>
    %add3A_16 = vector.broadcast %broadcast_in_dim3A_15 : vector<512x1xf32> to vector<512x2048xf32>
    %add3A_17 = arith.addf %add3A, %add3A_16 : vector<512x2048xf32>
    %add3A_18 = arith.addf %add3A_17, %dot_general3A_9 : vector<512x2048xf32>
    %reduce_min3A = arith.constant dense<0x7F800000> : vector<2048xf32>
    %reduce_min3A_19 = vector.multi_reduction <minimumf>, %add3A_18, %reduce_min3A [0] : vector<512x2048xf32> to vector<2048xf32>
    %broadcast_in_dim3A_20 = vector.shape_cast %reduce_min3A_19 : vector<2048xf32> to vector<1x2048xf32>
    %eq3A = vector.broadcast %broadcast_in_dim3A_20 : vector<1x2048xf32> to vector<512x2048xf32>
    %eq3A_21 = arith.cmpf oeq, %add3A_18, %eq3A : vector<512x2048xf32>
    %jit3A = arith.constant 1.000000e+00 : f32
    %jit3A_22 = arith.constant 0.000000e+00 : f32
    %broadcast_in_dim3A_23 = vector.broadcast %jit3A : f32 to vector<512x2048xf32>
    %broadcast_in_dim3A_24 = vector.broadcast %jit3A_22 : f32 to vector<512x2048xf32>
    %select_n3A = arith.select %eq3A_21, %broadcast_in_dim3A_23, %broadcast_in_dim3A_24 : vector<512x2048xi1>, vector<512x2048xf32>
    %iota3A = tpu.iota {dimensions = array<i32: 1>} : vector<2x512xi32>
    %slice3A = vector.extract_strided_slice %iota3A {offsets = [0, 0], sizes = [1, 512], strides = [1, 1]} : vector<2x512xi32> to vector<1x512xi32>
    %jit3A_25 = arith.constant 2 : i32
    %div3A = vector.broadcast %jit3A_25 : i32 to vector<1x512xi32>
    %div3A_26 = arith.divsi %slice3A, %div3A : vector<1x512xi32>
    %sign3A = arith.constant 0 : i32
    %sign3A_27 = vector.broadcast %sign3A : i32 to vector<1x512xi32>
    %sign3A_28 = arith.cmpi sgt, %slice3A, %sign3A_27 : vector<1x512xi32>
    %sign3A_29 = arith.extui %sign3A_28 : vector<1x512xi1> to vector<1x512xi32>
    %sign3A_30 = arith.constant 0 : i32
    %sign3A_31 = vector.broadcast %sign3A_30 : i32 to vector<1x512xi32>
    %sign3A_32 = arith.cmpi slt, %slice3A, %sign3A_31 : vector<1x512xi32>
    %sign3A_33 = arith.extui %sign3A_32 : vector<1x512xi1> to vector<1x512xi32>
    %sign3A_34 = arith.subi %sign3A_29, %sign3A_33 : vector<1x512xi32>
    %sign3A_35 = arith.constant 0 : i32
    %sign3A_36 = arith.cmpi sgt, %jit3A_25, %sign3A_35 : i32
    %sign3A_37 = arith.extui %sign3A_36 : i1 to i32
    %sign3A_38 = arith.constant 0 : i32
    %sign3A_39 = arith.cmpi slt, %jit3A_25, %sign3A_38 : i32
    %sign3A_40 = arith.extui %sign3A_39 : i1 to i32
    %sign3A_41 = arith.subi %sign3A_37, %sign3A_40 : i32
    %ne3A = vector.broadcast %sign3A_41 : i32 to vector<1x512xi32>
    %ne3A_42 = arith.cmpi ne, %sign3A_34, %ne3A : vector<1x512xi32>
    %rem3A = vector.broadcast %jit3A_25 : i32 to vector<1x512xi32>
    %rem3A_43 = arith.remsi %slice3A, %rem3A : vector<1x512xi32>
    %ne3A_44 = arith.constant 0 : i32
    %ne3A_45 = vector.broadcast %ne3A_44 : i32 to vector<1x512xi32>
    %ne3A_46 = arith.cmpi ne, %rem3A_43, %ne3A_45 : vector<1x512xi32>
    %and3A = arith.andi %ne3A_42, %ne3A_46 : vector<1x512xi1>
    %sub3A = arith.constant 1 : i32
    %sub3A_47 = vector.broadcast %sub3A : i32 to vector<1x512xi32>
    %sub3A_48 = arith.subi %div3A_26, %sub3A_47 : vector<1x512xi32>
    %select_n3A_49 = arith.select %and3A, %sub3A_48, %div3A_26 : vector<1x512xi1>, vector<1x512xi32>
    %convert_element_type3A = arith.sitofp %select_n3A_49 : vector<1x512xi32> to vector<1x512xf32>
    %slice3A_50 = vector.extract_strided_slice %iota3A {offsets = [1, 0], sizes = [1, 512], strides = [1, 1]} : vector<2x512xi32> to vector<1x512xi32>
    %jit3A_51 = arith.constant 2 : i32
    %eq3A_52 = arith.constant 0 : i32
    %eq3A_53 = arith.cmpi eq, %jit3A_51, %eq3A_52 : i32
    %jit3A_54 = arith.constant 1 : i32
    %select_n3A_55 = arith.select %eq3A_53, %jit3A_54, %jit3A_51 : i32
    %rem3A_56 = vector.broadcast %select_n3A_55 : i32 to vector<1x512xi32>
    %rem3A_57 = arith.remsi %slice3A_50, %rem3A_56 : vector<1x512xi32>
    %ne3A_58 = arith.constant 0 : i32
    %ne3A_59 = vector.broadcast %ne3A_58 : i32 to vector<1x512xi32>
    %ne3A_60 = arith.cmpi ne, %rem3A_57, %ne3A_59 : vector<1x512xi32>
    %lt3A = arith.constant 0 : i32
    %lt3A_61 = vector.broadcast %lt3A : i32 to vector<1x512xi32>
    %lt3A_62 = arith.cmpi slt, %rem3A_57, %lt3A_61 : vector<1x512xi32>
    %lt3A_63 = arith.constant 0 : i32
    %lt3A_64 = arith.cmpi slt, %select_n3A_55, %lt3A_63 : i32
    %ne3A_65 = vector.broadcast %lt3A_64 : i1 to vector<1x512xi1>
    %ne3A_66 = vector.broadcast %ne3A_65 : vector<1x512xi1> to vector<1x512xi1>
    %ne3A_67 = arith.xori %lt3A_62, %ne3A_66 : vector<1x512xi1>
    %and3A_68 = arith.andi %ne3A_67, %ne3A_60 : vector<1x512xi1>
    %add3A_69 = vector.broadcast %select_n3A_55 : i32 to vector<1x512xi32>
    %add3A_70 = arith.addi %rem3A_57, %add3A_69 : vector<1x512xi32>
    %select_n3A_71 = arith.select %and3A_68, %add3A_70, %rem3A_57 : vector<1x512xi1>, vector<1x512xi32>
    %convert_element_type3A_72 = arith.sitofp %select_n3A_71 : vector<1x512xi32> to vector<1x512xf32>
    %concatenate3A = tpu.concatenate %convert_element_type3A, %convert_element_type3A_72 in 0 : vector<1x512xf32>, vector<1x512xf32> -> vector<2x512xf32>
    %dot_general3A_73 = arith.constant dense<0.000000e+00> : vector<2x2048xf32>
    %dot_general3A_74 = tpu.matmul %concatenate3A, %select_n3A, %dot_general3A_73 {dimension_numbers = #tpu.dot_dimension_numbers<[1], [0], [0], [1], [0, 0, 1, 1], [], []>, transpose_lhs_hint = false} : vector<2x512xf32>, vector<512x2048xf32>, vector<2x2048xf32> -> vector<2x2048xf32>
    %slice3A_75 = vector.extract_strided_slice %dot_general3A_74 {offsets = [0, 0], sizes = [1, 2048], strides = [1, 1]} : vector<2x2048xf32> to vector<1x2048xf32>
    %mul3A_76 = arith.constant 2.000000e+00 : f32
    %mul3A_77 = vector.broadcast %mul3A_76 : f32 to vector<1x2048xf32>
    %mul3A_78 = arith.mulf %mul3A_77, %slice3A_75 : vector<1x2048xf32>
    %slice3A_79 = vector.extract_strided_slice %dot_general3A_74 {offsets = [1, 0], sizes = [1, 2048], strides = [1, 1]} : vector<2x2048xf32> to vector<1x2048xf32>
    %add3A_80 = arith.addf %mul3A_78, %slice3A_79 : vector<1x2048xf32>
    %convert_element_type3A_81 = arith.fptosi %add3A_80 : vector<1x2048xf32> to vector<1x2048xi32>
    %min3A = arith.constant 511 : i32
    %min3A_82 = vector.broadcast %min3A : i32 to vector<1x2048xi32>
    %min3A_83 = arith.minsi %convert_element_type3A_81, %min3A_82 : vector<1x2048xi32>
    %reshape3A = vector.shape_cast %min3A_83 : vector<1x2048xi32> to vector<16x128xi32>
    %swap3A = arith.constant 0 : index
    %swap3A_84 = arith.constant 0 : index
    %swap3A_85 = arith.constant 0 : index
    %swap3A_86 = vector.load %arg4[%swap3A, %swap3A_84, %swap3A_85] : memref<1x16x128xi32, #tpu.memory_space<vmem>>, vector<1x16x128xi32>
    %swap3A_87 = vector.shape_cast %swap3A_86 : vector<1x16x128xi32> to vector<16x128xi32>
    %swap3A_88 = vector.shape_cast %reshape3A : vector<16x128xi32> to vector<1x16x128xi32>
    tpu.vector_store %arg4[%swap3A, %swap3A_84, %swap3A_85], %swap3A_88 {strides = array<i32>} : memref<1x16x128xi32, #tpu.memory_space<vmem>>, vector<1x16x128xi32>,
    return
  }
  func.func @transform_0(%arg0: i32, %arg1: i32) -> (i32, i32, i32) {
    %c0_i32 = arith.constant 0 : i32
    %c0_i32_0 = arith.constant 0 : i32
    return %arg0, %c0_i32, %arg1 : i32, i32, i32
  }
  func.func @transform_1(%arg0: i32, %arg1: i32) -> (i32, i32) {
    %c0_i32 = arith.constant 0 : i32
    %c0_i32_0 = arith.constant 0 : i32
    %c0_i32_1 = arith.constant 0 : i32
    return %c0_i32, %c0_i32_0 : i32, i32
  }
  func.func @transform_2(%arg0: i32, %arg1: i32) -> (i32, i32, i32) {
    %mul3A = arith.constant 8 : i32
    %mul3A_0 = arith.muli %arg0, %mul3A : i32
    %add3A = arith.addi %mul3A_0, %arg1 : i32
    %c0_i32 = arith.constant 0 : i32
    %c0_i32_1 = arith.constant 0 : i32
    %c0_i32_2 = arith.constant 0 : i32
    return %add3A, %c0_i32, %c0_i32_1 : i32, i32, i32
  }
}

</mosaic_0001>

<sc_bundles>
// kernel: kernel.4.cloned.1.call-start
scs
__scs_entry_jumppad:
0x0: {  	(pc) =	sbr.rel $0x88, $3  }
0x1: {  	(tag) =	ssettag $0x0;
	lr =	simm.s32 $0x1  }
0x2: {  	[smem:$0x3F9F] =	sst lr;
	_ =	strace $0xD0000000  }
0x3: {  	_ = 	snop  }
0x4: {  	_ = 	snop  }
0x5: {  	_ = 	snop  }
0x6: {  	_ = 	snop  }
0x7: {  	_ = 	snop  }
__scs_overlays_trampoline_lowered:
0x8: {  	[smem:$0x3FAE] =	sst s0  }
0x9: {  	[smem:$0x3FAF] =	sst s1  }
0xa: {  	[smem:$0x3FB0] =	sst s2  }
0xb: {  	[smem:$0x3FB1] =	sst s3  }
0xc: {  	[smem:$0x3FB2] =	sst s4  }
0xd: {  	[smem:$0x3FB3] =	sst s5  }
0xe: {  	[smem:$0x3FB4] =	sst s6  }
0xf: {  	[smem:$0x3FB5] =	sst s7  }
0x10: {  	[smem:$0x3FB6] =	sst s8  }
0x11: {  	[smem:$0x3FB7] =	sst s9;
	s0 =	simm.s32 @!p0 $0x0  }
0x12: {  	s1 =	sld [smem:$0x3F9D];
	s0 =	simm.s32 @p0 $0x1  }
0x13: {  	[smem:$0x3FB8] =	sst s0;
	s0 =	simm.s32 @!p1 $0x0  }
0x14: {  	s2 =	sld [smem:$0x3F9C];
	s0 =	simm.s32 @p1 $0x1  }
0x15: {  	[smem:$0x3FB9] =	sst s0;
	s0 =	simm.s32 @!p2 $0x0  }
0x16: {  	s3 =	sld [smem:$0x3FDB];
	s0 =	simm.s32 @p2 $0x1  }
0x17: {  	s4 =	simm.s32 $0x1BF5;
	[smem:$0x3FBB] =	sst s0  }
0x18: {  	s0 =	sld [smem:$0x3F9E];
	_ =	swait.ge [sflag:s4], $0x0  }
0x19: {  	s7 =	sld [smem:$0x3F9F]  }
0x1a: {  	s8 =	sadd.s32 $0xFFFFE003, lr  }
0x1b: {  	s9 =	sadd.s32 $0xFFFFFEF7, lr;
	s5 =	simm.s32 $0xFFFFFFFF;
	p2 =	slt.u32 s8, $0xFFFFF086  }
0x1c: {  	p1 =	slt.u32 s9, $0xF7A;
	s5 =	simm.s32 @!p2 $0x0  }
0x1d: {  	s5 =	simm.s32 @p1 $0x1;
	p0 =	seq.s32 s7, s2  }
0x1e: {  	s7 =	smul.u32 @!p0 $0xF7A, s2;
	p2 =	seq.s32 @!p0 s5, $0x0  }
0x1f: {  	s9 =	smul.u32 $0xF7A, s1;
	s8 =	simm.s32 @!p0 $0x1BF5;
	p2 =	por !p2, p0  }
0x20: {  	[sflag:s8] =	ssyncset.s32 @!p0 $0xFFFFF086;
	s6 =	sadd.s32 @!p0 s3, s7;
	s7 =	simm.s32 @!p0 $0x108  }
0x21: {  	s3 =	sadd.s32 s3, s9;
	s6 =	sadd.s32 @!p0 $0x88, s6;
	s7 =	simm.s32 @p2 $0x1082  }
0x22: {  	[simem:s7], [sflag:s8] =	dma.local @!p0 [hbm:s6], $0xF7A  }
0x23: {  	s9 =	sor.u32 $0xD0000000, s2;
	s6 =	simm.s32 $0x108;
	_ =	swait.ge @!p0 [sflag:s8], $0x0  }
0x24: {  	s3 =	sadd.s32 $0x88, s3;
	s6 =	simm.s32 @!p1 $0x1082;
	[sflag:s4] =	ssyncset.s32 $0xFFFFF086  }
0x25: {  	[simem:s6], [sflag:s4] =	dma.local [hbm:s3], $0xF7A  }
0x26: {  	[smem:$0x3F9F] =	sst s1;
	(tag) =	ssettag s2;
	_ =	strace s9  }
0x27: {  	s1 =	sld [smem:$0x3FAF]  }
0x28: {  	s2 =	sld [smem:$0x3FB0]  }
0x29: {  	s4 =	sld [smem:$0x3FB2]  }
0x2a: {  	p0 =	seq.s32 s5, $0x0;
	s5 =	sld [smem:$0x3FB3]  }
0x2b: {  	s6 =	sld [smem:$0x3FB4]  }
0x2c: {  	s7 =	sld [smem:$0x3FB5]  }
0x2d: {  	s3 =	simm.s32 $0x108;
	s8 =	sld [smem:$0x3FB6]  }
0x2e: {  	s3 =	simm.s32 @!p0 $0x1082;
	s9 =	sld [smem:$0x3FB7]  }
0x2f: {  	lr =	sadd.s32 s0, s3;
	s0 =	sld [smem:$0x3FAE]  }
0x30: {  	s3 =	sld [smem:$0x3FB1]  }
0x31: {  	[smem:$0x3FBA] =	sst s10  }
0x32: {  	s10 =	sld [smem:$0x3FB8];
	_ =	sdelay $0x3  }
0x33: {  	p0 =	seq.s32 s10, $0x1;
	s10 =	sld [smem:$0x3FBA];
	_ =	sdelay $0x3  }
0x34: {  	[smem:$0x3FBA] =	sst s10  }
0x35: {  	s10 =	sld [smem:$0x3FB9];
	_ =	sdelay $0x3  }
0x36: {  	p1 =	seq.s32 s10, $0x1;
	s10 =	sld [smem:$0x3FBA];
	_ =	sdelay $0x3  }
0x37: {  	[smem:$0x3FBA] =	sst s10  }
0x38: {  	s10 =	sld [smem:$0x3FBB]  }
0x39: {  	_ = 	snop;
	(pc) =	sbr.ind lr, $3  }
0x3a: {  	_ = 	snop  }
0x3b: {  	_ = 	snop  }
0x3c: {  	p2 =	seq.s32 s10, $0x1;
	s10 =	sld [smem:$0x3FBA]  }
0x3d: {  	_ =	shalt  }
0x3e: {  	_ =	shalt  }
0x3f: {  	_ =	shalt  }
0x40: {  	_ =	shalt  }
0x41: {  	_ =	shalt  }
0x42: {  	_ =	shalt  }
0x43: {  	_ =	shalt  }
0x44: {  	_ =	shalt  }
0x45: {  	_ =	shalt  }
0x46: {  	_ =	shalt  }
0x47: {  	_ =	shalt  }
0x48: {  	_ =	shalt  }
0x49: {  	_ =	shalt  }
0x4a: {  	_ =	shalt  }
0x4b: {  	_ =	shalt  }
0x4c: {  	_ =	shalt  }
0x4d: {  	_ =	shalt  }
0x4e: {  	_ =	shalt  }
0x4f: {  	_ =	shalt  }
0x50: {  	_ =	shalt  }
0x51: {  	_ =	shalt  }
0x52: {  	_ =	shalt  }
0x53: {  	_ =	shalt  }
0x54: {  	_ =	shalt  }
0x55: {  	_ =	shalt  }
0x56: {  	_ =	shalt  }
0x57: {  	_ =	shalt  }
0x58: {  	_ =	shalt  }
0x59: {  	_ =	shalt  }
0x5a: {  	_ =	shalt  }
0x5b: {  	_ =	shalt  }
0x5c: {  	_ =	shalt  }
0x5d: {  	_ =	shalt  }
0x5e: {  	_ =	shalt  }
0x5f: {  	_ =	shalt  }
0x60: {  	_ =	shalt  }
0x61: {  	_ =	shalt  }
0x62: {  	_ =	shalt  }
0x63: {  	_ =	shalt  }
0x64: {  	_ =	shalt  }
0x65: {  	_ =	shalt  }
0x66: {  	_ =	shalt  }
0x67: {  	_ =	shalt  }
0x68: {  	_ =	shalt  }
0x69: {  	_ =	shalt  }
0x6a: {  	_ =	shalt  }
0x6b: {  	_ =	shalt  }
0x6c: {  	_ =	shalt  }
0x6d: {  	_ =	shalt  }
0x6e: {  	_ =	shalt  }
0x6f: {  	_ =	shalt  }
0x70: {  	_ =	shalt  }
0x71: {  	_ =	shalt  }
0x72: {  	_ =	shalt  }
0x73: {  	_ =	shalt  }
0x74: {  	_ =	shalt  }
0x75: {  	_ =	shalt  }
0x76: {  	_ =	shalt  }
0x77: {  	_ =	shalt  }
0x78: {  	_ =	shalt  }
0x79: {  	_ =	shalt  }
0x7a: {  	_ =	shalt  }
0x7b: {  	_ =	shalt  }
0x7c: {  	_ =	shalt  }
0x7d: {  	_ =	shalt  }
0x7e: {  	_ =	shalt  }
0x7f: {  	_ =	shalt  }
0x80: {  	_ =	shalt  }
0x81: {  	_ =	shalt  }
0x82: {  	_ =	shalt  }
0x83: {  	_ =	shalt  }
0x84: {  	_ =	shalt  }
0x85: {  	_ =	shalt  }
0x86: {  	_ =	shalt  }
0x87: {  	_ =	shalt  }
.Lfunc_end0:
.L_simem_size_0:
called_computation_lowered:
.L_overlay_start_0:
0x88: {  	s2 =	sld [smem:$0x3FD9]  }
0x89: {  	s3 =	sld [smem:$0x3FFE];
	_ =	sdelay $0x1  }
0x8a: {  	s1 =	srdreg.scid  }
0x8b: {  	s0 =	sand.u32 $0x1, s1  }
0x8c: {  	s14 =	sshll.u32 s0, $0xA;
	s2 =	sadd.s32 s3, s2  }
0x8d: {  	s2 =	sadd.s32 s2, s14  }
0x8e: {  	[smem:$0x3FC6] =	sst s2  }
0x8f: {  	_ = 	snop  }
0x90: {  	s2 =	sld [smem:$0x3FD0];
	_ =	sdelay $0x2  }
0x91: {  	s15 =	simm.s32 $0xA;
	s4 =	simm.s32 $0x10  }
0x92: {  	[smem:s4], [sflag:s15] =	dma.local [hbm:s2], $0x1  }
0x93: {  	_ =	swait.eq [sflag:s15], $0x1  }
0x94: {  	[sflag:s15] =	ssyncset.done $0x0  }
0x95: {  	s16 =	sld [smem:$0x10];
	[sflag:s15] =	ssyncadd.s32 $0xFFFFFFFF  }
0x96: {  	s17 =	sld [smem:$0x11];
	(tm) =	ssettm $0x1  }
0x97: {  	s18 =	sld [smem:$0x3FFB];
	_ =	sdelay $0x3  }
0x98: {  	_ =	strace s18  }
0x99: {  	s4 =	sld [smem:$0x3FFC];
	_ =	sdelay $0x3  }
0x9a: {  	_ =	strace s4  }
0x9b: {  	s4 =	sld [smem:$0x3FFD];
	_ =	sdelay $0x3  }
0x9c: {  	_ =	strace s4  }
0x9d: {  	_ =	strace $0x8FFFFFFF  }
0x9e: {  	s19 =	sld [smem:$0x3FDB];
	_ =	sdelay $0x1  }
0x9f: {  	s5 =	simm.s32 $_scs_section_size  }
0xa0: {  	s6 =	simm.s32 $_size__tile_overlayer_lowered;
	s7 =	simm.s32 $_tile_overlayer_lowered  }
0xa1: {  	s22 =	simm.s32 $0x1BFF;
	s21 =	sshll.u32 s7, $0x1;
	s4 =	sadd.s32 s5, s19  }
0xa2: {  	s8 =	simm.s32 $0x0;
	s20 =	sshll.u32 s6, $0x1;
	s6 =	sadd.s32 s21, s4  }
0xa3: {  	[timem:s8], [sflag:s22] =	dma.local [hbm:s6], s20  }
0xa4: {  	_ =	swait.ge [sflag:s22], s20  }
0xa5: {  	s5 =	ssub.s32 $0x0, s20;
	[sflag:s22] =	ssyncset.done $0x0  }
0xa6: {  	[sflag:s22] =	ssyncadd.s32 s5;
	_ =	sdelay $0x1  }
0xa7: {  	s23 =	simm.s32 $0x1B8B  }
0xa8: {  	_ =	swait.ge [sflag:s23], $0x1  }
0xa9: {  	[sflag:s23] =	ssyncset.done $0x0  }
0xaa: {  	s25 =	simm.s32 $0x1B8E;
	s24 =	sld [smem:$0x3FFE];
	[sflag:s23] =	ssyncadd.s32 $0xFFFFFFFF  }
0xab: {  	s26 =	simm.s32 $execute0_lowered;
	[smem:$0x3FD2] =	sst s25  }
0xac: {  	s6 =	sshll.u32 s26, $0x1;
	_ =	strace $0x80000046;
	[dreg:$0x1] =	wrdreg $0xFFFFFFFF  }
0xad: {  	s28 =	simm.s32 $_size_execute0_lowered;
	s4 =	sadd.s32 s4, s6;
	[dreg:$0x0] =	wrdreg $0x0  }
0xae: {  	s6 =	sshll.u32 s28, $0x1;
	[dreg:$0x2] =	wrdreg s4  }
0xaf: {  	[dreg:$0x3] =	wrdreg s6  }
0xb0: {  	[dreg:$0x4] =	wrdreg $0xC0  }
0xb1: {  	_ =	task [dreg:s8], $0x5FFFF  }
0xb2: {  	[dreg:$0x1] =	wrdreg $0xFFFFFFFF  }
0xb3: {  	[dreg:$0x0] =	wrdreg $0x60  }
0xb4: {  	[dreg:$0x2] =	wrdreg s24  }
0xb5: {  	[dreg:$0x3] =	wrdreg s17  }
0xb6: {  	[dreg:$0x4] =	wrdreg s16  }
0xb7: {  	[dreg:$0x5] =	wrdreg $0x110000  }
0xb8: {  	[dreg:$0x6] =	wrdreg $0x9  }
0xb9: {  	_ =	task.clear_ibuf [dreg:s8], $0x7FFFF;
	_ =	strace $0x90000046  }
0xba: {  	s29 =	simm.s32 $0x9;
	_ =	strace $0x80000048  }
0xbb: {  	_ =	swait.ge [sflag:s29], $0x1  }
0xbc: {  	[sflag:s29] =	ssyncadd.s32 $0xFFFFFFFF  }
0xbd: {  	_ =	strace $0x90000048  }
0xbe: {  	_ =	sfence  }
0xbf: {  	s30 =	sld [smem:$0x0];
	_ =	sdelay $0x2  }
0xc0: {  	s31 =	sshll.u32 s1, $0xD;
	s1 =	sshrl.u32 s1, $0x2  }
0xc1: {  	s3 =	sand.u32 $0x4000, s31;
	s1 =	sadd.s32 s1, s30  }
0xc2: {  	s0 =	sor.u32 s3, s0;
	s1 =	sshll.u32 s1, $0x11  }
0xc3: {  	s0 =	sor.u32 s1, s0  }
0xc4: {  	s0 =	sadd.s32 $0x8F2B, s0  }
0xc5: {  	[sflag:s0] =	ssyncadd.remote.s32 $0x1  }
0xc6: {  	_ =	sfence.sel $0xFFFF  }
0xc7: {  	[dreg:$0x0] =	wrdreg $0xFFFFFFFF;
	(pc) =	sbr.abs _section_cstart, $3  }
0xc8: {  	[dreg:$0x1] =	wrdreg $0xFFFFFFFF  }
0xc9: {  	_ =	task.clear_ibuf [dreg:s8], $0x2FFFF;
	_ =	strace $0x9FFFFFFF  }
0xca: {  	(tm) =	ssettm $0x7FFFFFFF  }
0xcb: {  	_ =	shalt  }
tec
execute0_lowered:
.L_overlay_start_1:
0x0: {  	(tag) =	ssettag $0x1  }
0x1: {  	s3 =	rddreg [dreg:$0x0]  }
0x2: {  	s4 =	rddreg [dreg:$0x1]  }
0x3: {  	s5 =	rddreg [dreg:$0x2]  }
0x4: {  	s6 =	rddreg [dreg:$0x3];
	s2 =	simm.s32 $0x0  }
0x5: {  	[smem:$0x7FF] =	sst s2;
	s3 =	sadd.s32 $0x600, s3  }
0x6: {  	s22 =	simm.s32 $0x100;
	_ =	strace $0x80000047;
	[dreg:$0x5] =	wrdreg s3  }
0x7: {  	s23 =	simm.s32 $0x180;
	[dreg:$0xc] =	wrdreg s22  }
0x8: {  	s1 =	stileid.u32;
	s24 =	simm.s32 $0x200;
	[dreg:$0xd] =	wrdreg s23  }
0x9: {  	s25 =	simm.s32 $0x280;
	s26 =	simm.s32 $0x300;
	[dreg:$0xe] =	wrdreg s24  }
0xa: {  	s7 =	sshll.u32 s1, $0xD;
	s16 =	sshll.u32 s1, $0x6;
	[dreg:$0xf] =	wrdreg s25  }
0xb: {  	s18 =	sshll.u32 s1, $0xE;
	s1 =	simm.s32 $0x380;
	[dreg:$0x10] =	wrdreg s26  }
0xc: {  	s9 =	simm.s32 $0x580;
	[dreg:$0x11] =	wrdreg s1  }
0xd: {  	s10 =	simm.s32 $0x600;
	[dreg:$0x15] =	wrdreg s9  }
0xe: {  	s11 =	simm.s32 $0x680;
	[dreg:$0x16] =	wrdreg s10  }
0xf: {  	s12 =	simm.s32 $0x700;
	[dreg:$0x17] =	wrdreg s11  }
0x10: {  	s13 =	simm.s32 $0x780;
	[dreg:$0x18] =	wrdreg s12  }
0x11: {  	s14 =	simm.s32 $0x800;
	[dreg:$0x19] =	wrdreg s13  }
0x12: {  	s0 =	srdreg.scid;
	[dreg:$0x1a] =	wrdreg s14  }
0x13: {  	s0 =	sand.u32 $0x1, s0;
	s24 =	simm.s32 $0xC00;
	s25 =	rddreg [dreg:$0x5]  }
0x14: {  	s8 =	sshll.u32 s0, $0xC;
	s9 =	simm.s32 $0xC80;
	[smem:$0x7FC] =	sst s24  }
0x15: {  	s15 =	sor.u32 s8, s7;
	s7 =	sor.u32 $0x1C03, s16;
	[smem:$0x7FD] =	sst s9  }
0x16: {  	s16 =	simm.s32 $0x900;
	[dreg:$0x6] =	wrdreg s7  }
0x17: {  	s8 =	sshrl.u32 s15, $0x3;
	s7 =	simm.s32 $0x480;
	[dreg:$0x1c] =	wrdreg s16  }
0x18: {  	s3 =	sshll.u32 s15, $0x2;
	s15 =	simm.s32 $0x880;
	[dreg:$0x13] =	wrdreg s7  }
0x19: {  	[dreg:$0x1b] =	wrdreg s15  }
0x1a: {  	s4 =	sadd.s32 s4, s8;
	s23 =	rddreg [dreg:$0x6]  }
0x1b: {  	s3 =	sadd.s32 s5, s3;
	s8 =	simm.s32 $0x500;
	[dreg:$0x7] =	wrdreg s4  }
0x1c: {  	s17 =	sadd.s32 $0x1000, s3;
	[dreg:$0x14] =	wrdreg s8  }
0x1d: {  	s19 =	sadd.s32 $0x2000, s3;
	[dreg:$0x8] =	wrdreg s17  }
0x1e: {  	s20 =	sadd.s32 $0x3000, s3;
	[dreg:$0x9] =	wrdreg s19  }
0x1f: {  	s4 =	sadd.s32 s18, s6;
	s6 =	simm.s32 $0x400;
	[dreg:$0xa] =	wrdreg s20  }
0x20: {  	s18 =	simm.s32 $0xA00;
	[dreg:$0x12] =	wrdreg s6  }
0x21: {  	s21 =	sshrl.u32 s4, $0x3;
	[dreg:$0x1e] =	wrdreg s18  }
0x22: {  	s17 =	simm.s32 $0x980;
	[dreg:$0xb] =	wrdreg s21  }
0x23: {  	s19 =	simm.s32 $0xA80;
	[dreg:$0x1d] =	wrdreg s17  }
0x24: {  	s20 =	simm.s32 $0xB00;
	[dreg:$0x1f] =	wrdreg s19  }
0x25: {  	[smem:$0x7FA] =	sst s20;
	s21 =	simm.s32 $0xB80  }
0x26: {  	[smem:$0x7FB] =	sst s21  }
0x27: {  	s5 =	simm.s32 $0x3;
	s22 =	rddreg [dreg:$0xb]  }
0x28: {  	[spmem:s22], [sflag:s23] =	dma.local [hbm:s25], $0x800  }
0x29: {  	_ =	swait.ge [sflag:s5], $0x800  }
0x2a: {  	[sflag:s5] =	ssyncset.done $0x0  }
0x2b: {  	s26 =	rddreg [dreg:$0x7];
	[sflag:s5] =	ssyncadd.s32 $0xFFFFF800  }
0x2c: {  	[tilespmem:s2], [sflag:$0x3] =	stream.linear.gather [hbm4b:s26+s2], $0x1000, $0x38;
	[tilespmem:$0x15000] =	vst v63  }
0x2d: {  	_ =	swait.ge [sflag:s5], $0x1000  }
0x2e: {  	[sflag:s5] =	ssyncset.done $0x0  }
0x2f: {  	s7 =	simm.s32 $0x1000;
	s6 =	simm.s32 $0x80;
	[sflag:s5] =	ssyncadd.s32 $0xFFFFF000  }
0x30: {  	[tilespmem:s7], [sflag:$0x1] =	stream.indirect.gather [spmem:s4], $0x20, s2, s6, $0xb8;
	[tilespmem:$0x15000] =	vst v63  }
0x31: {  	s8 =	simm.s32 $0x2000  }
0x32: {  	[tilespmem:s8], [sflag:$0x1] =	stream.indirect.gather [spmem:s4], $0x20, s6, s6, $0xb8;
	[tilespmem:$0x15000] =	vst v63  }
0x33: {  	s9 =	simm.s32 $0x3000;
	s10 =	rddreg [dreg:$0xc]  }
0x34: {  	[tilespmem:s9], [sflag:$0x1] =	stream.indirect.gather [spmem:s4], $0x20, s10, s6, $0xb8;
	[tilespmem:$0x15000] =	vst v63  }
0x35: {  	s11 =	rddreg [dreg:$0xd];
	s10 =	simm.s32 $0x4000  }
0x36: {  	[tilespmem:s10], [sflag:$0x1] =	stream.indirect.gather [spmem:s4], $0x20, s11, s6, $0xb8;
	[tilespmem:$0x15000] =	vst v63  }
0x37: {  	s12 =	rddreg [dreg:$0xe];
	s11 =	simm.s32 $0x5000  }
0x38: {  	[tilespmem:s11], [sflag:$0x1] =	stream.indirect.gather [spmem:s4], $0x20, s12, s6, $0xb8;
	[tilespmem:$0x15000] =	vst v63  }
0x39: {  	s13 =	rddreg [dreg:$0xf];
	s12 =	simm.s32 $0x6000  }
0x3a: {  	[tilespmem:s12], [sflag:$0x1] =	stream.indirect.gather [spmem:s4], $0x20, s13, s6, $0xb8;
	[tilespmem:$0x15000] =	vst v63  }
0x3b: {  	s14 =	rddreg [dreg:$0x10];
	s13 =	simm.s32 $0x7000  }
0x3c: {  	[tilespmem:s13], [sflag:$0x1] =	stream.indirect.gather [spmem:s4], $0x20, s14, s6, $0xb8;
	[tilespmem:$0x15000] =	vst v63  }
0x3d: {  	s15 =	rddreg [dreg:$0x11];
	s14 =	simm.s32 $0x8000  }
0x3e: {  	[tilespmem:s14], [sflag:$0x1] =	stream.indirect.gather [spmem:s4], $0x20, s15, s6, $0xb8;
	[tilespmem:$0x15000] =	vst v63  }
0x3f: {  	s16 =	rddreg [dreg:$0x12];
	s15 =	simm.s32 $0x9000  }
0x40: {  	[tilespmem:s15], [sflag:$0x1] =	stream.indirect.gather [spmem:s4], $0x20, s16, s6, $0xb8;
	[tilespmem:$0x15000] =	vst v63  }
0x41: {  	s17 =	rddreg [dreg:$0x13];
	s16 =	simm.s32 $0xA000  }
0x42: {  	[tilespmem:s16], [sflag:$0x1] =	stream.indirect.gather [spmem:s4], $0x20, s17, s6, $0xb8;
	[tilespmem:$0x15000] =	vst v63  }
0x43: {  	s18 =	rddreg [dreg:$0x14];
	s17 =	simm.s32 $0xB000  }
0x44: {  	[tilespmem:s17], [sflag:$0x1] =	stream.indirect.gather [spmem:s4], $0x20, s18, s6, $0xb8;
	[tilespmem:$0x15000] =	vst v63  }
0x45: {  	s19 =	rddreg [dreg:$0x15];
	s18 =	simm.s32 $0xC000  }
0x46: {  	[tilespmem:s18], [sflag:$0x1] =	stream.indirect.gather [spmem:s4], $0x20, s19, s6, $0xb8;
	[tilespmem:$0x15000] =	vst v63  }
0x47: {  	s20 =	rddreg [dreg:$0x16];
	s19 =	simm.s32 $0xD000  }
0x48: {  	[tilespmem:s19], [sflag:$0x1] =	stream.indirect.gather [spmem:s4], $0x20, s20, s6, $0xb8;
	[tilespmem:$0x15000] =	vst v63  }
0x49: {  	s21 =	rddreg [dreg:$0x17];
	s20 =	simm.s32 $0xE000  }
0x4a: {  	[tilespmem:s20], [sflag:$0x1] =	stream.indirect.gather [spmem:s4], $0x20, s21, s6, $0xb8;
	[tilespmem:$0x15000] =	vst v63  }
0x4b: {  	s22 =	rddreg [dreg:$0x18];
	s21 =	simm.s32 $0xF000  }
0x4c: {  	[tilespmem:s21], [sflag:$0x1] =	stream.indirect.gather [spmem:s4], $0x20, s22, s6, $0xb8;
	[tilespmem:$0x15000] =	vst v63  }
0x4d: {  	s23 =	simm.s32 $0x1;
	s24 =	rddreg [dreg:$0x19];
	s22 =	simm.s32 $0x10000  }
0x4e: {  	[tilespmem:s22], [sflag:$0x1] =	stream.indirect.gather [spmem:s4], $0x20, s24, s6, $0xb8;
	[tilespmem:$0x15000] =	vst v63  }
0x4f: {  	_ =	swait.ge [sflag:s23], $0x1000  }
0x50: {  	[sflag:s23] =	ssyncset.done $0x0  }
0x51: {  	[sflag:s23] =	ssyncadd.s32 $0xFFFFF000  }
0x52: {  	_ =	swait.ge [sflag:s23], $0x1000  }
0x53: {  	[sflag:s23] =	ssyncset.done $0x0  }
0x54: {  	[sflag:s23] =	ssyncadd.s32 $0xFFFFF000  }
0x55: {  	_ =	swait.ge [sflag:s23], $0x1000  }
0x56: {  	[sflag:s23] =	ssyncset.done $0x0  }
0x57: {  	[sflag:s23] =	ssyncadd.s32 $0xFFFFF000  }
0x58: {  	_ =	swait.ge [sflag:s23], $0x1000  }
0x59: {  	[sflag:s23] =	ssyncset.done $0x0  }
0x5a: {  	[sflag:s23] =	ssyncadd.s32 $0xFFFFF000  }
0x5b: {  	_ =	swait.ge [sflag:s23], $0x1000  }
0x5c: {  	[sflag:s23] =	ssyncset.done $0x0  }
0x5d: {  	[sflag:s23] =	ssyncadd.s32 $0xFFFFF000  }
0x5e: {  	_ =	swait.ge [sflag:s23], $0x1000  }
0x5f: {  	[sflag:s23] =	ssyncset.done $0x0  }
0x60: {  	[sflag:s23] =	ssyncadd.s32 $0xFFFFF000  }
0x61: {  	_ =	swait.ge [sflag:s23], $0x1000  }
0x62: {  	[sflag:s23] =	ssyncset.done $0x0  }
0x63: {  	[sflag:s23] =	ssyncadd.s32 $0xFFFFF000  }
0x64: {  	_ =	swait.ge [sflag:s23], $0x1000  }
0x65: {  	[sflag:s23] =	ssyncset.done $0x0  }
0x66: {  	s24 =	simm.s32 $0x2;
	[sflag:s23] =	ssyncadd.s32 $0xFFFFF000  }
0x67: {  	[hbm4b:s3+s2] =	stream.linear.scatter [tilespmem:s7], [sflag:$0x2], $0x8000, $0x38;
	[tilespmem:$0x15000] =	vst v63  }
0x68: {  	_ =	swait.ge [sflag:s24], $0x8000  }
0x69: {  	s25 =	rddreg [dreg:$0x1a];
	[sflag:s24] =	ssyncset.done $0x0  }
0x6a: {  	s26 =	rddreg [dreg:$0x1b];
	[sflag:s24] =	ssyncadd.s32 $0xFFFF8000  }
0x6b: {  	[tilespmem:s7], [sflag:$0x1] =	stream.indirect.gather [spmem:s4], $0x20, s25, s6, $0xb8;
	[tilespmem:$0x15000] =	vst v63  }
0x6c: {  	s1 =	rddreg [dreg:$0x1d]  }
0x6d: {  	[tilespmem:s8], [sflag:$0x1] =	stream.indirect.gather [spmem:s4], $0x20, s26, s6, $0xb8;
	[tilespmem:$0x15000] =	vst v63  }
0x6e: {  	s25 =	rddreg [dreg:$0x1c]  }
0x6f: {  	[tilespmem:s9], [sflag:$0x1] =	stream.indirect.gather [spmem:s4], $0x20, s25, s6, $0xb8;
	[tilespmem:$0x15000] =	vst v63  }
0x70: {  	s25 =	rddreg [dreg:$0x1e]  }
0x71: {  	[tilespmem:s10], [sflag:$0x1] =	stream.indirect.gather [spmem:s4], $0x20, s1, s6, $0xb8;
	[tilespmem:$0x15000] =	vst v63  }
0x72: {  	s1 =	rddreg [dreg:$0x1f]  }
0x73: {  	[tilespmem:s11], [sflag:$0x1] =	stream.indirect.gather [spmem:s4], $0x20, s25, s6, $0xb8;
	[tilespmem:$0x15000] =	vst v63  }
0x74: {  	s25 =	sld [smem:$0x7FA]  }
0x75: {  	[tilespmem:s12], [sflag:$0x1] =	stream.indirect.gather [spmem:s4], $0x20, s1, s6, $0xb8;
	[tilespmem:$0x15000] =	vst v63  }
0x76: {  	s1 =	sld [smem:$0x7FB]  }
0x77: {  	[tilespmem:s13], [sflag:$0x1] =	stream.indirect.gather [spmem:s4], $0x20, s25, s6, $0xb8;
	[tilespmem:$0x15000] =	vst v63  }
0x78: {  	_ = 	snop  }
0x79: {  	[tilespmem:s14], [sflag:$0x1] =	stream.indirect.gather [spmem:s4], $0x20, s1, s6, $0xb8;
	[tilespmem:$0x15000] =	vst v63  }
0x7a: {  	_ =	swait.ge [sflag:s23], $0x1000  }
0x7b: {  	[sflag:s23] =	ssyncset.done $0x0  }
0x7c: {  	[sflag:s23] =	ssyncadd.s32 $0xFFFFF000  }
0x7d: {  	_ =	swait.ge [sflag:s23], $0x1000  }
0x7e: {  	[sflag:s23] =	ssyncset.done $0x0  }
0x7f: {  	[sflag:s23] =	ssyncadd.s32 $0xFFFFF000  }
0x80: {  	_ =	swait.ge [sflag:s23], $0x1000  }
0x81: {  	[sflag:s23] =	ssyncset.done $0x0  }
0x82: {  	[sflag:s23] =	ssyncadd.s32 $0xFFFFF000  }
0x83: {  	_ =	swait.ge [sflag:s23], $0x1000  }
0x84: {  	[sflag:s23] =	ssyncset.done $0x0  }
0x85: {  	[sflag:s23] =	ssyncadd.s32 $0xFFFFF000  }
0x86: {  	_ =	swait.ge [sflag:s23], $0x1000  }
0x87: {  	[sflag:s23] =	ssyncset.done $0x0  }
0x88: {  	[sflag:s23] =	ssyncadd.s32 $0xFFFFF000  }
0x89: {  	_ =	swait.ge [sflag:s23], $0x1000  }
0x8a: {  	[sflag:s23] =	ssyncset.done $0x0  }
0x8b: {  	[sflag:s23] =	ssyncadd.s32 $0xFFFFF000  }
0x8c: {  	_ =	swait.ge [sflag:s23], $0x1000  }
0x8d: {  	[sflag:s23] =	ssyncset.done $0x0  }
0x8e: {  	[sflag:s23] =	ssyncadd.s32 $0xFFFFF000  }
0x8f: {  	_ =	swait.ge [sflag:s23], $0x1000  }
0x90: {  	[sflag:s23] =	ssyncset.done $0x0  }
0x91: {  	s1 =	rddreg [dreg:$0x8];
	[sflag:s23] =	ssyncadd.s32 $0xFFFFF000  }
0x92: {  	[hbm4b:s1+s2] =	stream.linear.scatter [tilespmem:s15], [sflag:$0x2], $0x8000, $0x38;
	[tilespmem:$0x15000] =	vst v63  }
0x93: {  	_ =	swait.ge [sflag:s24], $0x8000  }
0x94: {  	s26 =	sld [smem:$0x7FC]  }
0x95: {  	[sflag:s24] =	ssyncset.done $0x0  }
0x96: {  	s1 =	sld [smem:$0x7FD];
	[sflag:s24] =	ssyncadd.s32 $0xFFFF8000  }
0x97: {  	[tilespmem:s15], [sflag:$0x1] =	stream.indirect.gather [spmem:s4], $0x20, s26, s6, $0xb8;
	[tilespmem:$0x15000] =	vst v63  }
0x98: {  	_ = 	snop  }
0x99: {  	[tilespmem:s16], [sflag:$0x1] =	stream.indirect.gather [spmem:s4], $0x20, s1, s6, $0xb8;
	[tilespmem:$0x15000] =	vst v63  }
0x9a: {  	s26 =	simm.s32 $0xD00  }
0x9b: {  	[tilespmem:s17], [sflag:$0x1] =	stream.indirect.gather [spmem:s4], $0x20, s26, s6, $0xb8;
	[tilespmem:$0x15000] =	vst v63  }
0x9c: {  	s25 =	simm.s32 $0xD80  }
0x9d: {  	[tilespmem:s18], [sflag:$0x1] =	stream.indirect.gather [spmem:s4], $0x20, s25, s6, $0xb8;
	[tilespmem:$0x15000] =	vst v63  }
0x9e: {  	s28 =	simm.s32 $0xE00  }
0x9f: {  	[tilespmem:s19], [sflag:$0x1] =	stream.indirect.gather [spmem:s4], $0x20, s28, s6, $0xb8;
	[tilespmem:$0x15000] =	vst v63  }
0xa0: {  	s29 =	simm.s32 $0xE80  }
0xa1: {  	[tilespmem:s20], [sflag:$0x1] =	stream.indirect.gather [spmem:s4], $0x20, s29, s6, $0xb8;
	[tilespmem:$0x15000] =	vst v63  }
0xa2: {  	s30 =	simm.s32 $0xF00  }
0xa3: {  	[tilespmem:s21], [sflag:$0x1] =	stream.indirect.gather [spmem:s4], $0x20, s30, s6, $0xb8;
	[tilespmem:$0x15000] =	vst v63  }
0xa4: {  	s31 =	simm.s32 $0xF80  }
0xa5: {  	[tilespmem:s22], [sflag:$0x1] =	stream.indirect.gather [spmem:s4], $0x20, s31, s6, $0xb8;
	[tilespmem:$0x15000] =	vst v63  }
0xa6: {  	_ =	swait.ge [sflag:s23], $0x1000  }
0xa7: {  	[sflag:s23] =	ssyncset.done $0x0  }
0xa8: {  	[sflag:s23] =	ssyncadd.s32 $0xFFFFF000  }
0xa9: {  	_ =	swait.ge [sflag:s23], $0x1000  }
0xaa: {  	[sflag:s23] =	ssyncset.done $0x0  }
0xab: {  	[sflag:s23] =	ssyncadd.s32 $0xFFFFF000  }
0xac: {  	_ =	swait.ge [sflag:s23], $0x1000  }
0xad: {  	[sflag:s23] =	ssyncset.done $0x0  }
0xae: {  	[sflag:s23] =	ssyncadd.s32 $0xFFFFF000  }
0xaf: {  	_ =	swait.ge [sflag:s23], $0x1000  }
0xb0: {  	[sflag:s23] =	ssyncset.done $0x0  }
0xb1: {  	[sflag:s23] =	ssyncadd.s32 $0xFFFFF000  }
0xb2: {  	_ =	swait.ge [sflag:s23], $0x1000  }
0xb3: {  	[sflag:s23] =	ssyncset.done $0x0  }
0xb4: {  	[sflag:s23] =	ssyncadd.s32 $0xFFFFF000  }
0xb5: {  	_ =	swait.ge [sflag:s23], $0x1000  }
0xb6: {  	[sflag:s23] =	ssyncset.done $0x0  }
0xb7: {  	[sflag:s23] =	ssyncadd.s32 $0xFFFFF000  }
0xb8: {  	_ =	swait.ge [sflag:s23], $0x1000  }
0xb9: {  	[sflag:s23] =	ssyncset.done $0x0  }
0xba: {  	[sflag:s23] =	ssyncadd.s32 $0xFFFFF000  }
0xbb: {  	_ =	swait.ge [sflag:s23], $0x1000  }
0xbc: {  	[sflag:s23] =	ssyncset.done $0x0  }
0xbd: {  	s26 =	rddreg [dreg:$0x9];
	[sflag:s23] =	ssyncadd.s32 $0xFFFFF000  }
0xbe: {  	[hbm4b:s26+s2] =	stream.linear.scatter [tilespmem:s7], [sflag:$0x2], $0x8000, $0x38;
	[tilespmem:$0x15000] =	vst v63  }
0xbf: {  	_ =	swait.ge [sflag:s23], $0x1000  }
0xc0: {  	[sflag:s23] =	ssyncset.done $0x0  }
0xc1: {  	[sflag:s23] =	ssyncadd.s32 $0xFFFFF000  }
0xc2: {  	_ =	swait.ge [sflag:s23], $0x1000  }
0xc3: {  	[sflag:s23] =	ssyncset.done $0x0  }
0xc4: {  	[sflag:s23] =	ssyncadd.s32 $0xFFFFF000  }
0xc5: {  	_ =	swait.ge [sflag:s23], $0x1000  }
0xc6: {  	[sflag:s23] =	ssyncset.done $0x0  }
0xc7: {  	[sflag:s23] =	ssyncadd.s32 $0xFFFFF000  }
0xc8: {  	_ =	swait.ge [sflag:s23], $0x1000  }
0xc9: {  	[sflag:s23] =	ssyncset.done $0x0  }
0xca: {  	[sflag:s23] =	ssyncadd.s32 $0xFFFFF000  }
0xcb: {  	_ =	swait.ge [sflag:s23], $0x1000  }
0xcc: {  	[sflag:s23] =	ssyncset.done $0x0  }
0xcd: {  	[sflag:s23] =	ssyncadd.s32 $0xFFFFF000  }
0xce: {  	_ =	swait.ge [sflag:s23], $0x1000  }
0xcf: {  	[sflag:s23] =	ssyncset.done $0x0  }
0xd0: {  	[sflag:s23] =	ssyncadd.s32 $0xFFFFF000  }
0xd1: {  	_ =	swait.ge [sflag:s23], $0x1000  }
0xd2: {  	s0 =	ssub.s32 $0x2, s0;
	[sflag:s23] =	ssyncset.done $0x0  }
0xd3: {  	s26 =	sshrl.u32 s0, $0x1;
	[sflag:s23] =	ssyncadd.s32 $0xFFFFF000  }
0xd4: {  	s0 =	ssub.s32 s0, s26;
	_ =	swait.ge [sflag:s23], $0x1000  }
0xd5: {  	s0 =	smax.u32 s0, $0x1;
	[sflag:s23] =	ssyncset.done $0x0  }
0xd6: {  	p0 =	sne.s32 s0, $0x1;
	s25 =	rddreg [dreg:$0xa];
	[sflag:s23] =	ssyncadd.s32 $0xFFFFF000  }
0xd7: {  	[hbm4b:s25+s2] =	stream.linear.scatter [tilespmem:s15], [sflag:$0x2], $0x8000, $0x38;
	[tilespmem:$0x15000] =	vst v63  }
.Ltmp0:
0xd8: {  	_ = 	snop;
	(pc) =	sbr.rel @!p0 .LBB2_2-.Ltmp0, $4  }
0xd9: {  	_ =	swait.ge [sflag:s24], $0x8000  }
0xda: {  	[sflag:s24] =	ssyncset.done $0x0  }
0xdb: {  	[sflag:s24] =	ssyncadd.s32 $0xFFFF8000  }
0xdc: {  	s0 =	sadd.s32 $0xFFFFFFFF, s0;
	_ =	swait.ge [sflag:s24], $0x8000  }
.LBB2_1:
0xdd: {  	s1 =	rddreg [dreg:$0xb]  }
0xde: {  	[sflag:s24] =	ssyncset.done $0x0;
	s25 =	rddreg [dreg:$0x6]  }
0xdf: {  	s26 =	rddreg [dreg:$0x5];
	[sflag:s24] =	ssyncadd.s32 $0xFFFF8000  }
0xe0: {  	[spmem:s1], [sflag:s25] =	dma.local [hbm:s26], $0x800  }
0xe1: {  	_ =	swait.ge [sflag:s5], $0x800  }
0xe2: {  	[sflag:s5] =	ssyncset.done $0x0  }
0xe3: {  	s25 =	rddreg [dreg:$0x7];
	[sflag:s5] =	ssyncadd.s32 $0xFFFFF800  }
0xe4: {  	[tilespmem:s2], [sflag:$0x3] =	stream.linear.gather [hbm4b:s25+s2], $0x1000, $0x38;
	[tilespmem:$0x15000] =	vst v63  }
0xe5: {  	_ =	swait.ge [sflag:s5], $0x1000  }
0xe6: {  	[sflag:s5] =	ssyncset.done $0x0  }
0xe7: {  	[sflag:s5] =	ssyncadd.s32 $0xFFFFF000  }
0xe8: {  	[tilespmem:s7], [sflag:$0x1] =	stream.indirect.gather [spmem:s4], $0x20, s2, s6, $0xb8;
	[tilespmem:$0x15000] =	vst v63  }
0xe9: {  	_ = 	snop  }
0xea: {  	[tilespmem:s8], [sflag:$0x1] =	stream.indirect.gather [spmem:s4], $0x20, s6, s6, $0xb8;
	[tilespmem:$0x15000] =	vst v63  }
0xeb: {  	s1 =	rddreg [dreg:$0xc]  }
0xec: {  	[tilespmem:s9], [sflag:$0x1] =	stream.indirect.gather [spmem:s4], $0x20, s1, s6, $0xb8;
	[tilespmem:$0x15000] =	vst v63  }
0xed: {  	s25 =	rddreg [dreg:$0xd]  }
0xee: {  	[tilespmem:s10], [sflag:$0x1] =	stream.indirect.gather [spmem:s4], $0x20, s25, s6, $0xb8;
	[tilespmem:$0x15000] =	vst v63  }
0xef: {  	s26 =	rddreg [dreg:$0xe]  }
0xf0: {  	[tilespmem:s11], [sflag:$0x1] =	stream.indirect.gather [spmem:s4], $0x20, s26, s6, $0xb8;
	[tilespmem:$0x15000] =	vst v63  }
0xf1: {  	s1 =	rddreg [dreg:$0xf]  }
0xf2: {  	[tilespmem:s12], [sflag:$0x1] =	stream.indirect.gather [spmem:s4], $0x20, s1, s6, $0xb8;
	[tilespmem:$0x15000] =	vst v63  }
0xf3: {  	s25 =	rddreg [dreg:$0x10]  }
0xf4: {  	[tilespmem:s13], [sflag:$0x1] =	stream.indirect.gather [spmem:s4], $0x20, s25, s6, $0xb8;
	[tilespmem:$0x15000] =	vst v63  }
0xf5: {  	s26 =	rddreg [dreg:$0x11]  }
0xf6: {  	[tilespmem:s14], [sflag:$0x1] =	stream.indirect.gather [spmem:s4], $0x20, s26, s6, $0xb8;
	[tilespmem:$0x15000] =	vst v63  }
0xf7: {  	s1 =	rddreg [dreg:$0x12]  }
0xf8: {  	[tilespmem:s15], [sflag:$0x1] =	stream.indirect.gather [spmem:s4], $0x20, s1, s6, $0xb8;
	[tilespmem:$0x15000] =	vst v63  }
0xf9: {  	s25 =	rddreg [dreg:$0x13]  }
0xfa: {  	[tilespmem:s16], [sflag:$0x1] =	stream.indirect.gather [spmem:s4], $0x20, s25, s6, $0xb8;
	[tilespmem:$0x15000] =	vst v63  }
0xfb: {  	s26 =	rddreg [dreg:$0x14]  }
0xfc: {  	[tilespmem:s17], [sflag:$0x1] =	stream.indirect.gather [spmem:s4], $0x20, s26, s6, $0xb8;
	[tilespmem:$0x15000] =	vst v63  }
0xfd: {  	s1 =	rddreg [dreg:$0x15]  }
0xfe: {  	[tilespmem:s18], [sflag:$0x1] =	stream.indirect.gather [spmem:s4], $0x20, s1, s6, $0xb8;
	[tilespmem:$0x15000] =	vst v63  }
0xff: {  	s25 =	rddreg [dreg:$0x16]  }
0x100: {  	[tilespmem:s19], [sflag:$0x1] =	stream.indirect.gather [spmem:s4], $0x20, s25, s6, $0xb8;
	[tilespmem:$0x15000] =	vst v63  }
0x101: {  	s26 =	rddreg [dreg:$0x17]  }
0x102: {  	[tilespmem:s20], [sflag:$0x1] =	stream.indirect.gather [spmem:s4], $0x20, s26, s6, $0xb8;
	[tilespmem:$0x15000] =	vst v63  }
0x103: {  	s1 =	rddreg [dreg:$0x18]  }
0x104: {  	[tilespmem:s21], [sflag:$0x1] =	stream.indirect.gather [spmem:s4], $0x20, s1, s6, $0xb8;
	[tilespmem:$0x15000] =	vst v63  }
0x105: {  	s25 =	rddreg [dreg:$0x19]  }
0x106: {  	[tilespmem:s22], [sflag:$0x1] =	stream.indirect.gather [spmem:s4], $0x20, s25, s6, $0xb8;
	[tilespmem:$0x15000] =	vst v63  }
0x107: {  	_ =	swait.ge [sflag:s23], $0x1000  }
0x108: {  	[sflag:s23] =	ssyncset.done $0x0  }
0x109: {  	[sflag:s23] =	ssyncadd.s32 $0xFFFFF000  }
0x10a: {  	_ =	swait.ge [sflag:s23], $0x1000  }
0x10b: {  	[sflag:s23] =	ssyncset.done $0x0  }
0x10c: {  	[sflag:s23] =	ssyncadd.s32 $0xFFFFF000  }
0x10d: {  	_ =	swait.ge [sflag:s23], $0x1000  }
0x10e: {  	[sflag:s23] =	ssyncset.done $0x0  }
0x10f: {  	[sflag:s23] =	ssyncadd.s32 $0xFFFFF000  }
0x110: {  	_ =	swait.ge [sflag:s23], $0x1000  }
0x111: {  	[sflag:s23] =	ssyncset.done $0x0  }
0x112: {  	[sflag:s23] =	ssyncadd.s32 $0xFFFFF000  }
0x113: {  	_ =	swait.ge [sflag:s23], $0x1000  }
0x114: {  	[sflag:s23] =	ssyncset.done $0x0  }
0x115: {  	[sflag:s23] =	ssyncadd.s32 $0xFFFFF000  }
0x116: {  	_ =	swait.ge [sflag:s23], $0x1000  }
0x117: {  	[sflag:s23] =	ssyncset.done $0x0  }
0x118: {  	[sflag:s23] =	ssyncadd.s32 $0xFFFFF000  }
0x119: {  	_ =	swait.ge [sflag:s23], $0x1000  }
0x11a: {  	[sflag:s23] =	ssyncset.done $0x0  }
0x11b: {  	[sflag:s23] =	ssyncadd.s32 $0xFFFFF000  }
0x11c: {  	_ =	swait.ge [sflag:s23], $0x1000  }
0x11d: {  	[sflag:s23] =	ssyncset.done $0x0  }
0x11e: {  	[sflag:s23] =	ssyncadd.s32 $0xFFFFF000  }
0x11f: {  	[hbm4b:s3+s2] =	stream.linear.scatter [tilespmem:s7], [sflag:$0x2], $0x8000, $0x38;
	[tilespmem:$0x15000] =	vst v63  }
0x120: {  	_ =	swait.ge [sflag:s24], $0x8000  }
0x121: {  	[sflag:s24] =	ssyncset.done $0x0;
	s1 =	rddreg [dreg:$0x1a]  }
0x122: {  	s25 =	rddreg [dreg:$0x1b];
	[sflag:s24] =	ssyncadd.s32 $0xFFFF8000  }
0x123: {  	[tilespmem:s7], [sflag:$0x1] =	stream.indirect.gather [spmem:s4], $0x20, s1, s6, $0xb8;
	[tilespmem:$0x15000] =	vst v63  }
0x124: {  	s26 =	rddreg [dreg:$0x1c]  }
0x125: {  	[tilespmem:s8], [sflag:$0x1] =	stream.indirect.gather [spmem:s4], $0x20, s25, s6, $0xb8;
	[tilespmem:$0x15000] =	vst v63  }
0x126: {  	s1 =	rddreg [dreg:$0x1d]  }
0x127: {  	[tilespmem:s9], [sflag:$0x1] =	stream.indirect.gather [spmem:s4], $0x20, s26, s6, $0xb8;
	[tilespmem:$0x15000] =	vst v63  }
0x128: {  	s25 =	rddreg [dreg:$0x1e]  }
0x129: {  	[tilespmem:s10], [sflag:$0x1] =	stream.indirect.gather [spmem:s4], $0x20, s1, s6, $0xb8;
	[tilespmem:$0x15000] =	vst v63  }
0x12a: {  	s26 =	rddreg [dreg:$0x1f]  }
0x12b: {  	[tilespmem:s11], [sflag:$0x1] =	stream.indirect.gather [spmem:s4], $0x20, s25, s6, $0xb8;
	[tilespmem:$0x15000] =	vst v63  }
0x12c: {  	s1 =	sld [smem:$0x7FA]  }
0x12d: {  	[tilespmem:s12], [sflag:$0x1] =	stream.indirect.gather [spmem:s4], $0x20, s26, s6, $0xb8;
	[tilespmem:$0x15000] =	vst v63  }
0x12e: {  	s25 =	sld [smem:$0x7FB]  }
0x12f: {  	[tilespmem:s13], [sflag:$0x1] =	stream.indirect.gather [spmem:s4], $0x20, s1, s6, $0xb8;
	[tilespmem:$0x15000] =	vst v63  }
0x130: {  	_ = 	snop  }
0x131: {  	[tilespmem:s14], [sflag:$0x1] =	stream.indirect.gather [spmem:s4], $0x20, s25, s6, $0xb8;
	[tilespmem:$0x15000] =	vst v63  }
0x132: {  	_ =	swait.ge [sflag:s23], $0x1000  }
0x133: {  	[sflag:s23] =	ssyncset.done $0x0  }
0x134: {  	[sflag:s23] =	ssyncadd.s32 $0xFFFFF000  }
0x135: {  	_ =	swait.ge [sflag:s23], $0x1000  }
0x136: {  	[sflag:s23] =	ssyncset.done $0x0  }
0x137: {  	[sflag:s23] =	ssyncadd.s32 $0xFFFFF000  }
0x138: {  	_ =	swait.ge [sflag:s23], $0x1000  }
0x139: {  	[sflag:s23] =	ssyncset.done $0x0  }
0x13a: {  	[sflag:s23] =	ssyncadd.s32 $0xFFFFF000  }
0x13b: {  	_ =	swait.ge [sflag:s23], $0x1000  }
0x13c: {  	[sflag:s23] =	ssyncset.done $0x0  }
0x13d: {  	[sflag:s23] =	ssyncadd.s32 $0xFFFFF000  }
0x13e: {  	_ =	swait.ge [sflag:s23], $0x1000  }
0x13f: {  	[sflag:s23] =	ssyncset.done $0x0  }
0x140: {  	[sflag:s23] =	ssyncadd.s32 $0xFFFFF000  }
0x141: {  	_ =	swait.ge [sflag:s23], $0x1000  }
0x142: {  	[sflag:s23] =	ssyncset.done $0x0  }
0x143: {  	[sflag:s23] =	ssyncadd.s32 $0xFFFFF000  }
0x144: {  	_ =	swait.ge [sflag:s23], $0x1000  }
0x145: {  	[sflag:s23] =	ssyncset.done $0x0  }
0x146: {  	[sflag:s23] =	ssyncadd.s32 $0xFFFFF000  }
0x147: {  	_ =	swait.ge [sflag:s23], $0x1000  }
0x148: {  	[sflag:s23] =	ssyncset.done $0x0  }
0x149: {  	s26 =	rddreg [dreg:$0x8];
	[sflag:s23] =	ssyncadd.s32 $0xFFFFF000  }
0x14a: {  	[hbm4b:s26+s2] =	stream.linear.scatter [tilespmem:s15], [sflag:$0x2], $0x8000, $0x38;
	[tilespmem:$0x15000] =	vst v63  }
0x14b: {  	_ =	swait.ge [sflag:s24], $0x8000  }
0x14c: {  	s25 =	sld [smem:$0x7FC]  }
0x14d: {  	[sflag:s24] =	ssyncset.done $0x0  }
0x14e: {  	s26 =	sld [smem:$0x7FD];
	[sflag:s24] =	ssyncadd.s32 $0xFFFF8000  }
0x14f: {  	[tilespmem:s15], [sflag:$0x1] =	stream.indirect.gather [spmem:s4], $0x20, s25, s6, $0xb8;
	[tilespmem:$0x15000] =	vst v63  }
0x150: {  	_ = 	snop  }
0x151: {  	[tilespmem:s16], [sflag:$0x1] =	stream.indirect.gather [spmem:s4], $0x20, s26, s6, $0xb8;
	[tilespmem:$0x15000] =	vst v63  }
0x152: {  	s25 =	simm.s32 $0xD00  }
0x153: {  	[tilespmem:s17], [sflag:$0x1] =	stream.indirect.gather [spmem:s4], $0x20, s25, s6, $0xb8;
	[tilespmem:$0x15000] =	vst v63  }
0x154: {  	s26 =	simm.s32 $0xD80  }
0x155: {  	[tilespmem:s18], [sflag:$0x1] =	stream.indirect.gather [spmem:s4], $0x20, s26, s6, $0xb8;
	[tilespmem:$0x15000] =	vst v63  }
0x156: {  	_ = 	snop  }
0x157: {  	[tilespmem:s19], [sflag:$0x1] =	stream.indirect.gather [spmem:s4], $0x20, s28, s6, $0xb8;
	[tilespmem:$0x15000] =	vst v63  }
0x158: {  	_ = 	snop  }
0x159: {  	[tilespmem:s20], [sflag:$0x1] =	stream.indirect.gather [spmem:s4], $0x20, s29, s6, $0xb8;
	[tilespmem:$0x15000] =	vst v63  }
0x15a: {  	_ = 	snop  }
0x15b: {  	[tilespmem:s21], [sflag:$0x1] =	stream.indirect.gather [spmem:s4], $0x20, s30, s6, $0xb8;
	[tilespmem:$0x15000] =	vst v63  }
0x15c: {  	_ = 	snop  }
0x15d: {  	[tilespmem:s22], [sflag:$0x1] =	stream.indirect.gather [spmem:s4], $0x20, s31, s6, $0xb8;
	[tilespmem:$0x15000] =	vst v63  }
0x15e: {  	_ =	swait.ge [sflag:s23], $0x1000  }
0x15f: {  	[sflag:s23] =	ssyncset.done $0x0  }
0x160: {  	[sflag:s23] =	ssyncadd.s32 $0xFFFFF000  }
0x161: {  	_ =	swait.ge [sflag:s23], $0x1000  }
0x162: {  	[sflag:s23] =	ssyncset.done $0x0  }
0x163: {  	[sflag:s23] =	ssyncadd.s32 $0xFFFFF000  }
0x164: {  	_ =	swait.ge [sflag:s23], $0x1000  }
0x165: {  	[sflag:s23] =	ssyncset.done $0x0  }
0x166: {  	[sflag:s23] =	ssyncadd.s32 $0xFFFFF000  }
0x167: {  	_ =	swait.ge [sflag:s23], $0x1000  }
0x168: {  	[sflag:s23] =	ssyncset.done $0x0  }
0x169: {  	[sflag:s23] =	ssyncadd.s32 $0xFFFFF000  }
0x16a: {  	_ =	swait.ge [sflag:s23], $0x1000  }
0x16b: {  	[sflag:s23] =	ssyncset.done $0x0  }
0x16c: {  	[sflag:s23] =	ssyncadd.s32 $0xFFFFF000  }
0x16d: {  	_ =	swait.ge [sflag:s23], $0x1000  }
0x16e: {  	[sflag:s23] =	ssyncset.done $0x0  }
0x16f: {  	[sflag:s23] =	ssyncadd.s32 $0xFFFFF000  }
0x170: {  	_ =	swait.ge [sflag:s23], $0x1000  }
0x171: {  	[sflag:s23] =	ssyncset.done $0x0  }
0x172: {  	[sflag:s23] =	ssyncadd.s32 $0xFFFFF000  }
0x173: {  	_ =	swait.ge [sflag:s23], $0x1000  }
0x174: {  	[sflag:s23] =	ssyncset.done $0x0  }
0x175: {  	s25 =	rddreg [dreg:$0x9];
	[sflag:s23] =	ssyncadd.s32 $0xFFFFF000  }
0x176: {  	[hbm4b:s25+s2] =	stream.linear.scatter [tilespmem:s7], [sflag:$0x2], $0x8000, $0x38;
	[tilespmem:$0x15000] =	vst v63  }
0x177: {  	_ =	swait.ge [sflag:s23], $0x1000  }
0x178: {  	[sflag:s23] =	ssyncset.done $0x0  }
0x179: {  	[sflag:s23] =	ssyncadd.s32 $0xFFFFF000  }
0x17a: {  	_ =	swait.ge [sflag:s23], $0x1000  }
0x17b: {  	[sflag:s23] =	ssyncset.done $0x0  }
0x17c: {  	[sflag:s23] =	ssyncadd.s32 $0xFFFFF000  }
0x17d: {  	_ =	swait.ge [sflag:s23], $0x1000  }
0x17e: {  	[sflag:s23] =	ssyncset.done $0x0  }
0x17f: {  	[sflag:s23] =	ssyncadd.s32 $0xFFFFF000  }
0x180: {  	_ =	swait.ge [sflag:s23], $0x1000  }
0x181: {  	[sflag:s23] =	ssyncset.done $0x0  }
0x182: {  	[sflag:s23] =	ssyncadd.s32 $0xFFFFF000  }
0x183: {  	_ =	swait.ge [sflag:s23], $0x1000  }
0x184: {  	[sflag:s23] =	ssyncset.done $0x0  }
0x185: {  	[sflag:s23] =	ssyncadd.s32 $0xFFFFF000  }
0x186: {  	_ =	swait.ge [sflag:s23], $0x1000  }
0x187: {  	[sflag:s23] =	ssyncset.done $0x0  }
0x188: {  	[sflag:s23] =	ssyncadd.s32 $0xFFFFF000  }
0x189: {  	_ =	swait.ge [sflag:s23], $0x1000  }
0x18a: {  	[sflag:s23] =	ssyncset.done $0x0  }
0x18b: {  	[sflag:s23] =	ssyncadd.s32 $0xFFFFF000  }
0x18c: {  	_ =	swait.ge [sflag:s23], $0x1000  }
0x18d: {  	[sflag:s23] =	ssyncset.done $0x0  }
0x18e: {  	p0 =	sne.s32 s0, $0x1;
	s26 =	rddreg [dreg:$0xa];
	[sflag:s23] =	ssyncadd.s32 $0xFFFFF000  }
0x18f: {  	[hbm4b:s26+s2] =	stream.linear.scatter [tilespmem:s15], [sflag:$0x2], $0x8000, $0x38;
	[tilespmem:$0x15000] =	vst v63  }
.Ltmp1:
0x190: {  	_ = 	snop;
	(pc) =	sbr.rel @p0 .LBB2_1-.Ltmp1, $4  }
0x191: {  	_ =	swait.ge [sflag:s24], $0x8000  }
0x192: {  	[sflag:s24] =	ssyncset.done $0x0  }
0x193: {  	[sflag:s24] =	ssyncadd.s32 $0xFFFF8000  }
0x194: {  	s0 =	sadd.s32 $0xFFFFFFFF, s0;
	_ =	swait.ge [sflag:s24], $0x8000  }
.LBB2_2:
0x195: {  	[sflag:s24] =	ssyncset.done $0x0  }
0x196: {  	[sflag:s24] =	ssyncadd.s32 $0xFFFF8000  }
0x197: {  	_ =	sfence.sel $0x180000  }
0x198: {  	[bflag:$0x0] =	sbarrier.arrive $0xFFFF  }
0x199: {  	_ =	strace $0x90000047  }
0x19a: {  	s0 =	stileid.u32;
	[bflag:$0x2] =	sbarrier.arrive $0xFFFF  }
0x19b: {  	p0 =	sne.s32 s0, $0x0;
	s0 =	rddreg [dreg:$0x4]  }
0x19c: {  	s0 =	sadd.s32 @!p0 $0x100000, s0  }
0x19d: {  	[sflag:s0] =	ssyncadd.tile.s32 @!p0 $0x1;
	_ =	shalt  }
.Lfunc_end2:
_tile_overlayer_lowered:
.L_overlay_start_2:
0x19e: {  	(tag) =	ssettag $0x2  }
0x19f: {  	s0 =	rddreg [dreg:$0x0];
	s2 =	stileid.u32  }
0x1a0: {  	s1 =	rddreg [dreg:$0x1];
	p0 =	sne.s32 s2, $0x0  }
0x1a1: {  	s3 =	rddreg [dreg:$0x2];
	[bflag:$0x3] =	sbarrier.arrive $0xFFFF;
	s2 =	simm.s32 @!p0 $0x1C03  }
0x1a2: {  	[timem:s3], [sflag:s2] =	dma.local @!p0 [hbm:s0], s1  }
0x1a3: {  	s0 =	simm.s32 @!p0 $0x3  }
0x1a4: {  	_ =	swait.ge @!p0 [sflag:s0], s1  }
0x1a5: {  	s1 =	ssub.s32 @!p0 $0x0, s1;
	[sflag:s0] =	ssyncset.done @!p0 $0x0  }
0x1a6: {  	[sflag:s0] =	ssyncadd.s32 @!p0 s1  }
0x1a7: {  	[bflag:$0x3] =	sbarrier.arrive $0xFFFF  }
0x1a8: {  	_ =	shalt  }

</sc_bundles>
